<compile_context>
chip_gen: v7x
topology: tpu7x:2x2x1
jax: 0.10.2.dev20260603
libtpu: 0.0.44.dev20260713+nightly
codegen_flags: <defaults>
</compile_context>

<pallas_src>
import functools

import jax
import jax.numpy as jnp
from jax import lax
from jax.experimental import pallas as pl
from jax.experimental.pallas import tpu as pltpu
from jax.experimental.pallas import tpu_sc as plsc

K = 128
NL = 16
NC, NS = 2, 16
NW = NC * NS
CHUNK = 8192


def _bin_body(logits_ref, labels_ref, out_ref, *, n_classes):
    x = logits_ref[0]
    ex = jnp.exp(x)
    s = jnp.sum(ex, axis=0, keepdims=True)
    e = 1.0 - ex / s
    b = jnp.minimum((e * K).astype(jnp.int32), K - 1)
    lab = labels_ref[0]
    cidx = lax.broadcasted_iota(jnp.int32, x.shape, 0)
    fg = (lab[None] == cidx).astype(jnp.int32)
    v = (cidx * 2 + fg) * K + b
    half = v.shape[1] // 2
    out_ref[0] = v[:, :half, :] | (v[:, half:, :] << 16)


def _make_hist_kernel(n_total, hbins):
    per_w = n_total // NW
    n_chunks = per_w // CHUNK
    mesh = plsc.VectorSubcoreMesh(core_axis_name="c", subcore_axis_name="s")

    unroll = 8
    assert n_chunks % 2 == 0

    @functools.partial(
        pl.kernel,
        mesh=mesh,
        out_type=jax.ShapeDtypeStruct((NW, hbins), jnp.int32),
        compiler_params=pltpu.CompilerParams(needs_layout_passes=False),
        scratch_types=[
            pltpu.VMEM((CHUNK,), jnp.int32),
            pltpu.VMEM((CHUNK,), jnp.int32),
            pltpu.VMEM((hbins,), jnp.int32),
            pltpu.SemaphoreType.DMA,
            pltpu.SemaphoreType.DMA,
        ],
    )
    def hist_kernel(bins_hbm, out_hbm, buf0, buf1, hist, sem0, sem1):
        wid = lax.axis_index("s") * NC + lax.axis_index("c")
        zeros = jnp.zeros((16,), jnp.int32)

        def zero_body(i, _):
            for u in range(8):
                hist[pl.ds((i * 8 + u) * 16, 16)] = zeros
            return 0

        lax.fori_loop(0, hbins // 16 // 8, zero_body, 0)

        base = wid * per_w
        ones = jnp.ones((16,), jnp.int32)
        bufs = (buf0, buf1)
        sems = (sem0, sem1)

        def start(t, b):
            pltpu.make_async_copy(
                bins_hbm.at[pl.ds(base + t * CHUNK, CHUNK)], bufs[b], sems[b]
            ).start()

        def wait(b):
            pltpu.make_async_copy(
                bins_hbm.at[pl.ds(base, CHUNK)], bufs[b], sems[b]
            ).wait()

        lanes = lax.broadcasted_iota(jnp.int32, (16,), 0)

        def scatter(b):
            @plsc.parallel_loop(0, CHUNK // 16, 1, unroll=unroll)
            def _(j):
                v = bufs[b][pl.ds(j * 16, 16)]
                lo = v & 0xFFFF
                hi = lax.shift_right_logical(v, 16)
                plsc.addupdate_scatter(hist, [(lo << 4) | lanes], ones)
                plsc.addupdate_scatter(hist, [(hi << 4) | lanes], ones)

        start(0, 0)

        def pair_body(q, _):
            t = q * 2
            wait(0)
            start(t + 1, 1)
            scatter(0)
            wait(1)

            @pl.when(q < n_chunks // 2 - 1)
            def _():
                start(t + 2, 0)

            scatter(1)
            return 0

        lax.fori_loop(0, n_chunks // 2, pair_body, 0)
        pltpu.sync_copy(hist, out_hbm.at[wid])

    return hist_kernel


def _loss_body(h_ref, out_ref, *, n_classes, n_pixels):
    hs = jnp.sum(h_ref[...], axis=0).astype(jnp.float32)
    j16 = lax.broadcasted_iota(jnp.int32, (K * NL, K), 0) // NL
    kk = lax.broadcasted_iota(jnp.int32, (K * NL, K), 1)
    eq_m = (j16 == kk).astype(jnp.float32)
    le_m = (j16 <= kk).astype(jnp.float32)
    n2 = jnp.dot(hs, eq_m, preferred_element_type=jnp.float32)
    c2 = jnp.dot(hs, le_m, preferred_element_type=jnp.float32)
    n4 = n2.reshape(n_classes, 2, K)
    c4 = c2.reshape(n_classes, 2, K)
    nf = n4[:, 0] + n4[:, 1]
    ff = n4[:, 1]
    cnf = c4[:, 0] + c4[:, 1]
    cff = c4[:, 1]
    gf = cff[:, K - 1 : K]
    p_tot = jnp.float32(n_pixels)
    n_ex = p_tot - cnf
    f_ex = gf - cff
    n_in = n_ex + nf
    f_in = f_ex + ff
    den_i = gf + n_in - f_in
    den_e = gf + n_ex - f_ex
    j_in = jnp.where(den_i > 0, 1.0 - (gf - f_in) / jnp.where(den_i > 0, den_i, 1.0), 0.0)
    j_ex = jnp.where(den_e > 0, 1.0 - (gf - f_ex) / jnp.where(den_e > 0, den_e, 1.0), 0.0)
    kf = lax.broadcasted_iota(jnp.int32, (n_classes, K), 1).astype(jnp.float32)
    ebar = (kf + 0.5) * (1.0 / K)
    loss = jnp.sum(ebar * (j_in - j_ex)) * (1.0 / n_classes)
    out_ref[...] = jnp.reshape(loss, (1, 1))


def kernel(logits, labels):
    B, C, H, W = logits.shape
    n_pixels = B * H * W
    n_total = n_pixels * C
    hbins = C * 2 * K * NL
    rows = n_pixels // B // 128

    lg = logits.reshape(B, C, rows, 128)
    lb = labels.reshape(B, rows, 128)

    blk = rows // 8
    bins = pl.pallas_call(
        functools.partial(_bin_body, n_classes=C),
        grid=(B, 8),
        in_specs=[
            pl.BlockSpec((1, C, blk, 128), lambda i, j: (i, 0, j, 0)),
            pl.BlockSpec((1, blk, 128), lambda i, j: (i, j, 0)),
        ],
        out_specs=pl.BlockSpec((1, C, blk // 2, 128), lambda i, j: (i, 0, j, 0)),
        out_shape=jax.ShapeDtypeStruct((B, C, rows // 2, 128), jnp.int32),
    )(lg, lb)

    n_words = n_total // 2
    hist = _make_hist_kernel(n_words, hbins)(bins.reshape(n_words))

    loss = pl.pallas_call(
        functools.partial(_loss_body, n_classes=C, n_pixels=n_pixels),
        out_shape=jax.ShapeDtypeStruct((1, 1), jnp.float32),
    )(hist.reshape(NW, C * 2, K * NL))
    return loss[0, 0]

# --- scband reference (transcript-rebuilt; emitter-appended) ---
"""Pipeline reference for scband-lovasz-softmax-loss-55886114456113 (READ-ONLY COPY).

The authoritative reference and input builder live on the scoring server;
editing this copy changes nothing except your own understanding.
"""

import jax, jax.numpy as jnp
import numpy as np


def setup_inputs(seed: int = 0) -> dict:
    key = jax.random.key(seed)
    k1, k2 = jax.random.split(key)
    logits = jax.random.normal(k1, (4, 19, 512, 512), dtype=jnp.float32)
    labels = jax.random.randint(k2, (4, 512, 512), 0, 19, dtype=jnp.int32)
    return {"logits": logits, "labels": labels}


def _lovasz_grad(gt_sorted):
    # gt_sorted: float32 [P], ground-truth foreground indicators in sorted-error order
    gts = jnp.sum(gt_sorted)
    intersection = gts - jnp.cumsum(gt_sorted)
    union = gts + jnp.cumsum(1.0 - gt_sorted)
    jaccard = 1.0 - intersection / union
    jaccard = jnp.concatenate([jaccard[:1], jaccard[1:] - jaccard[:-1]])
    return jaccard


def reference(logits, labels):
    # softmax over class dim
    probas = jax.nn.softmax(logits, axis=1)
    B, C, H, W = probas.shape
    # flatten_probas: [B,C,H,W] -> [P, C], labels -> [P]
    probas_flat = jnp.transpose(probas, (0, 2, 3, 1)).reshape(-1, C)
    labels_flat = labels.reshape(-1)
    # Note: labels are drawn uniformly from [0, C), so no pixel equals
    # ignore_index (-100) and every class is present in the minibatch.
    # Hence the valid-mask is all-True and the 'present' skip never fires;
    # the loop below is exactly equivalent to the torch reference for these inputs.
    losses = []
    for c in range(C):
        fg = (labels_flat == c).astype(jnp.float32)
        errors = jnp.abs(1.0 - probas_flat[:, c])
        perm = jnp.argsort(-errors)  # descending sort order
        errors_sorted = errors[perm]
        fg_sorted = fg[perm]
        losses.append(jnp.dot(errors_sorted, _lovasz_grad(fg_sorted)))
    return jnp.mean(jnp.stack(losses))

if __name__ == "__main__":
    import jax
    _d = setup_inputs()
    print(jax.jit(kernel)(*tuple(_d.values())))

</pallas_src>

<mosaic_0001>
#map = affine_map<(d0, d1) -> (0)>
#map1 = affine_map<(d0, d1) -> (0, 0)>
module attributes {stable_mosaic.version = 14 : i64} {
  func.func @hist_kernel(%arg0: i32, %arg1: i32, %arg2: memref<9961472xi32, #tpu.memory_space<hbm>>, %arg3: memref<32x77824xi32, #tpu.memory_space<hbm>>, %arg4: memref<8192xi32, #tpu.memory_space<vmem>>, %arg5: memref<8192xi32, #tpu.memory_space<vmem>>, %arg6: memref<77824xi32, #tpu.memory_space<vmem>>, %arg7: memref<!tpu.dma_semaphore, #tpu.memory_space<semaphore_mem>>, %arg8: memref<!tpu.dma_semaphore, #tpu.memory_space<semaphore_mem>>) attributes {dimension_semantics = [#tpu.dimension_semantics<core_parallel>, #tpu.dimension_semantics<subcore_parallel>], iteration_bounds = array<i64: 2, 16>, scalar_prefetch = 0 : i64, scratch_operands = 5 : i64, tpu.core_type = #tpu.core_type<sc_vector_subcore>, window_params = [{transform_indices = #map}, {transform_indices = #map1}]} {
    %mul3A = arith.constant 2 : i32
    %mul3A_0 = arith.muli %arg1, %mul3A : i32
    %add3A = arith.addi %mul3A_0, %arg0 : i32
    %broadcast_in_dim3A = arith.constant 0 : i32
    %broadcast_in_dim3A_1 = vector.broadcast %broadcast_in_dim3A : i32 to vector<16xi32>
    %scan3A = arith.constant 0 : i32
    %scan3A_2 = arith.constant 0 : i32
    %scan3A_3 = arith.constant 608 : i32
    %scan3A_4 = arith.addi %scan3A_2, %scan3A_3 : i32
    %scan3A_5 = arith.constant 1 : i32
    %scan3A_6 = scf.for %scan3A_22 = %scan3A_2 to %scan3A_4 step %scan3A_5 iter_args(%scan3A_23 = %scan3A) -> (i32)  : i32 {
      %mul3A_24 = arith.constant 8 : i32
      %mul3A_25 = arith.muli %scan3A_22, %mul3A_24 : i32
      %add3A_26 = arith.constant 0 : i32
      %add3A_27 = arith.addi %mul3A_25, %add3A_26 : i32
      %mul3A_28 = arith.constant 16 : i32
      %mul3A_29 = arith.muli %add3A_27, %mul3A_28 : i32
      %swap3A = arith.index_cast %mul3A_29 : i32 to index
      %swap3A_30 = tpu.vector_load %arg6[%swap3A] {strides = array<i32>} : memref<77824xi32, #tpu.memory_space<vmem>>, vector<16xi32>,
      tpu.vector_store %arg6[%swap3A], %broadcast_in_dim3A_1 {strides = array<i32>} : memref<77824xi32, #tpu.memory_space<vmem>>, vector<16xi32>,
      %mul3A_31 = arith.constant 8 : i32
      %mul3A_32 = arith.muli %scan3A_22, %mul3A_31 : i32
      %add3A_33 = arith.constant 1 : i32
      %add3A_34 = arith.addi %mul3A_32, %add3A_33 : i32
      %mul3A_35 = arith.constant 16 : i32
      %mul3A_36 = arith.muli %add3A_34, %mul3A_35 : i32
      %swap3A_37 = arith.index_cast %mul3A_36 : i32 to index
      %swap3A_38 = tpu.vector_load %arg6[%swap3A_37] {strides = array<i32>} : memref<77824xi32, #tpu.memory_space<vmem>>, vector<16xi32>,
      tpu.vector_store %arg6[%swap3A_37], %broadcast_in_dim3A_1 {strides = array<i32>} : memref<77824xi32, #tpu.memory_space<vmem>>, vector<16xi32>,
      %mul3A_39 = arith.constant 8 : i32
      %mul3A_40 = arith.muli %scan3A_22, %mul3A_39 : i32
      %add3A_41 = arith.constant 2 : i32
      %add3A_42 = arith.addi %mul3A_40, %add3A_41 : i32
      %mul3A_43 = arith.constant 16 : i32
      %mul3A_44 = arith.muli %add3A_42, %mul3A_43 : i32
      %swap3A_45 = arith.index_cast %mul3A_44 : i32 to index
      %swap3A_46 = tpu.vector_load %arg6[%swap3A_45] {strides = array<i32>} : memref<77824xi32, #tpu.memory_space<vmem>>, vector<16xi32>,
      tpu.vector_store %arg6[%swap3A_45], %broadcast_in_dim3A_1 {strides = array<i32>} : memref<77824xi32, #tpu.memory_space<vmem>>, vector<16xi32>,
      %mul3A_47 = arith.constant 8 : i32
      %mul3A_48 = arith.muli %scan3A_22, %mul3A_47 : i32
      %add3A_49 = arith.constant 3 : i32
      %add3A_50 = arith.addi %mul3A_48, %add3A_49 : i32
      %mul3A_51 = arith.constant 16 : i32
      %mul3A_52 = arith.muli %add3A_50, %mul3A_51 : i32
      %swap3A_53 = arith.index_cast %mul3A_52 : i32 to index
      %swap3A_54 = tpu.vector_load %arg6[%swap3A_53] {strides = array<i32>} : memref<77824xi32, #tpu.memory_space<vmem>>, vector<16xi32>,
      tpu.vector_store %arg6[%swap3A_53], %broadcast_in_dim3A_1 {strides = array<i32>} : memref<77824xi32, #tpu.memory_space<vmem>>, vector<16xi32>,
      %mul3A_55 = arith.constant 8 : i32
      %mul3A_56 = arith.muli %scan3A_22, %mul3A_55 : i32
      %add3A_57 = arith.constant 4 : i32
      %add3A_58 = arith.addi %mul3A_56, %add3A_57 : i32
      %mul3A_59 = arith.constant 16 : i32
      %mul3A_60 = arith.muli %add3A_58, %mul3A_59 : i32
      %swap3A_61 = arith.index_cast %mul3A_60 : i32 to index
      %swap3A_62 = tpu.vector_load %arg6[%swap3A_61] {strides = array<i32>} : memref<77824xi32, #tpu.memory_space<vmem>>, vector<16xi32>,
      tpu.vector_store %arg6[%swap3A_61], %broadcast_in_dim3A_1 {strides = array<i32>} : memref<77824xi32, #tpu.memory_space<vmem>>, vector<16xi32>,
      %mul3A_63 = arith.constant 8 : i32
      %mul3A_64 = arith.muli %scan3A_22, %mul3A_63 : i32
      %add3A_65 = arith.constant 5 : i32
      %add3A_66 = arith.addi %mul3A_64, %add3A_65 : i32
      %mul3A_67 = arith.constant 16 : i32
      %mul3A_68 = arith.muli %add3A_66, %mul3A_67 : i32
      %swap3A_69 = arith.index_cast %mul3A_68 : i32 to index
      %swap3A_70 = tpu.vector_load %arg6[%swap3A_69] {strides = array<i32>} : memref<77824xi32, #tpu.memory_space<vmem>>, vector<16xi32>,
      tpu.vector_store %arg6[%swap3A_69], %broadcast_in_dim3A_1 {strides = array<i32>} : memref<77824xi32, #tpu.memory_space<vmem>>, vector<16xi32>,
      %mul3A_71 = arith.constant 8 : i32
      %mul3A_72 = arith.muli %scan3A_22, %mul3A_71 : i32
      %add3A_73 = arith.constant 6 : i32
      %add3A_74 = arith.addi %mul3A_72, %add3A_73 : i32
      %mul3A_75 = arith.constant 16 : i32
      %mul3A_76 = arith.muli %add3A_74, %mul3A_75 : i32
      %swap3A_77 = arith.index_cast %mul3A_76 : i32 to index
      %swap3A_78 = tpu.vector_load %arg6[%swap3A_77] {strides = array<i32>} : memref<77824xi32, #tpu.memory_space<vmem>>, vector<16xi32>,
      tpu.vector_store %arg6[%swap3A_77], %broadcast_in_dim3A_1 {strides = array<i32>} : memref<77824xi32, #tpu.memory_space<vmem>>, vector<16xi32>,
      %mul3A_79 = arith.constant 8 : i32
      %mul3A_80 = arith.muli %scan3A_22, %mul3A_79 : i32
      %add3A_81 = arith.constant 7 : i32
      %add3A_82 = arith.addi %mul3A_80, %add3A_81 : i32
      %mul3A_83 = arith.constant 16 : i32
      %mul3A_84 = arith.muli %add3A_82, %mul3A_83 : i32
      %swap3A_85 = arith.index_cast %mul3A_84 : i32 to index
      %swap3A_86 = tpu.vector_load %arg6[%swap3A_85] {strides = array<i32>} : memref<77824xi32, #tpu.memory_space<vmem>>, vector<16xi32>,
      tpu.vector_store %arg6[%swap3A_85], %broadcast_in_dim3A_1 {strides = array<i32>} : memref<77824xi32, #tpu.memory_space<vmem>>, vector<16xi32>,
      %scan3A_87 = arith.constant 0 : i32
      scf.yield %scan3A_87 : i32
    }
    %scan3A_7 = arith.constant 608 : i32
    %mul3A_8 = arith.constant 311296 : i32
    %mul3A_9 = arith.muli %add3A, %mul3A_8 : i32
    %broadcast_in_dim3A_10 = arith.constant 1 : i32
    %broadcast_in_dim3A_11 = vector.broadcast %broadcast_in_dim3A_10 : i32 to vector<16xi32>
    %iota3A = tpu.iota {dimensions = array<i32: 0>} : vector<16xi32>
    %add3A_12 = arith.constant 0 : i32
    %add3A_13 = arith.addi %mul3A_9, %add3A_12 : i32
    %dma_start3A = tpu.memref_slice %arg2[%add3A_13] : memref<9961472xi32, #tpu.memory_space<hbm>> -> memref<8192xi32, #tpu.memory_space<hbm>>
    %dma_start3A_14 = tpu.memref_slice %arg2[%add3A_13] : memref<9961472xi32, #tpu.memory_space<hbm>> -> memref<8192xi32, #tpu.memory_space<hbm>>
    tpu.enqueue_dma source(%dma_start3A_14 : memref<8192xi32, #tpu.memory_space<hbm>>) target(%arg4 : memref<8192xi32, #tpu.memory_space<vmem>>) target_semaphore(%arg7 : memref<!tpu.dma_semaphore, #tpu.memory_space<semaphore_mem>>)
    %scan3A_15 = arith.constant 0 : i32
    %scan3A_16 = arith.constant 0 : i32
    %scan3A_17 = arith.constant 19 : i32
    %scan3A_18 = arith.addi %scan3A_16, %scan3A_17 : i32
    %scan3A_19 = arith.constant 1 : i32
    %scan3A_20 = scf.for %scan3A_22 = %scan3A_16 to %scan3A_18 step %scan3A_19 iter_args(%scan3A_23 = %scan3A_15) -> (i32)  : i32 {
      %mul3A_24 = arith.constant 2 : i32
      %mul3A_25 = arith.muli %scan3A_22, %mul3A_24 : i32
      %dma_wait3A = tpu.memref_slice %arg2[%mul3A_9] : memref<9961472xi32, #tpu.memory_space<hbm>> -> memref<8192xi32, #tpu.memory_space<hbm>>
      %dma_wait3A_26 = tpu.memref_slice %arg2[%mul3A_9] : memref<9961472xi32, #tpu.memory_space<hbm>> -> memref<8192xi32, #tpu.memory_space<hbm>>
      tpu.wait_dma2 semaphore(%arg7 : memref<!tpu.dma_semaphore, #tpu.memory_space<semaphore_mem>>) src(%dma_wait3A_26 : memref<8192xi32, #tpu.memory_space<hbm>>) dst(%arg4 : memref<8192xi32, #tpu.memory_space<vmem>>)
      %add3A_27 = arith.constant 1 : i32
      %add3A_28 = arith.addi %mul3A_25, %add3A_27 : i32
      %mul3A_29 = arith.constant 8192 : i32
      %mul3A_30 = arith.muli %add3A_28, %mul3A_29 : i32
      %add3A_31 = arith.addi %mul3A_9, %mul3A_30 : i32
      %dma_start3A_32 = tpu.memref_slice %arg2[%add3A_31] : memref<9961472xi32, #tpu.memory_space<hbm>> -> memref<8192xi32, #tpu.memory_space<hbm>>
      %dma_start3A_33 = tpu.memref_slice %arg2[%add3A_31] : memref<9961472xi32, #tpu.memory_space<hbm>> -> memref<8192xi32, #tpu.memory_space<hbm>>
      tpu.enqueue_dma source(%dma_start3A_33 : memref<8192xi32, #tpu.memory_space<hbm>>) target(%arg5 : memref<8192xi32, #tpu.memory_space<vmem>>) target_semaphore(%arg8 : memref<!tpu.dma_semaphore, #tpu.memory_space<semaphore_mem>>)
      %parallel_loop3A = arith.constant 0 : i32
      %parallel_loop3A_34 = arith.constant 512 : i32
      %parallel_loop3A_35 = arith.constant 1 : i32
      scf.for %parallel_loop3A_44 = %parallel_loop3A to %parallel_loop3A_34 step %parallel_loop3A_35  : i32 {
        %parallel_loop3A_45 = arith.constant 16 : i32
        %parallel_loop3A_46 = arith.muli %parallel_loop3A_44, %parallel_loop3A_45 : i32
        %parallel_loop3A_47 = arith.index_cast %parallel_loop3A_46 : i32 to index
        %parallel_loop3A_48 = tpu.vector_load %arg4[%parallel_loop3A_47] {strides = array<i32>} : memref<8192xi32, #tpu.memory_space<vmem>>, vector<16xi32>,
        %parallel_loop3A_49 = arith.constant 65535 : i32
        %parallel_loop3A_50 = vector.broadcast %parallel_loop3A_49 : i32 to vector<16xi32>
        %parallel_loop3A_51 = arith.andi %parallel_loop3A_48, %parallel_loop3A_50 : vector<16xi32>
        %parallel_loop3A_52 = arith.constant 16 : i32
        %parallel_loop3A_53 = vector.broadcast %parallel_loop3A_52 : i32 to vector<16xi32>
        %parallel_loop3A_54 = arith.shrui %parallel_loop3A_48, %parallel_loop3A_53 : vector<16xi32>
        %parallel_loop3A_55 = arith.constant 4 : i32
        %parallel_loop3A_56 = vector.broadcast %parallel_loop3A_55 : i32 to vector<16xi32>
        %parallel_loop3A_57 = arith.shli %parallel_loop3A_51, %parallel_loop3A_56 : vector<16xi32>
        %parallel_loop3A_58 = arith.ori %parallel_loop3A_57, %iota3A : vector<16xi32>
        tpu.vector_store_idx %arg6[%parallel_loop3A_58], %broadcast_in_dim3A_11 {add = true} : memref<77824xi32, #tpu.memory_space<vmem>>[vector<16xi32>], vector<16xi32>,
        %parallel_loop3A_59 = arith.constant 4 : i32
        %parallel_loop3A_60 = vector.broadcast %parallel_loop3A_59 : i32 to vector<16xi32>
        %parallel_loop3A_61 = arith.shli %parallel_loop3A_54, %parallel_loop3A_60 : vector<16xi32>
        %parallel_loop3A_62 = arith.ori %parallel_loop3A_61, %iota3A : vector<16xi32>
        tpu.vector_store_idx %arg6[%parallel_loop3A_62], %broadcast_in_dim3A_11 {add = true} : memref<77824xi32, #tpu.memory_space<vmem>>[vector<16xi32>], vector<16xi32>,
      } {sc.loop_unroll_factor = 8 : i64, sc.parallel_access}
      %dma_wait3A_36 = tpu.memref_slice %arg2[%mul3A_9] : memref<9961472xi32, #tpu.memory_space<hbm>> -> memref<8192xi32, #tpu.memory_space<hbm>>
      %dma_wait3A_37 = tpu.memref_slice %arg2[%mul3A_9] : memref<9961472xi32, #tpu.memory_space<hbm>> -> memref<8192xi32, #tpu.memory_space<hbm>>
      tpu.wait_dma2 semaphore(%arg8 : memref<!tpu.dma_semaphore, #tpu.memory_space<semaphore_mem>>) src(%dma_wait3A_37 : memref<8192xi32, #tpu.memory_space<hbm>>) dst(%arg5 : memref<8192xi32, #tpu.memory_space<vmem>>)
      %lt3A = arith.constant 18 : i32
      %lt3A_38 = arith.cmpi slt, %scan3A_22, %lt3A : i32
      %convert_element_type3A = arith.extui %lt3A_38 : i1 to i32
      %cond3A = arith.constant 0 : i32
      %cond3A_39 = arith.cmpi ne, %convert_element_type3A, %cond3A : i32
      scf.if %cond3A_39 {
        %add3A_44 = arith.constant 2 : i32
        %add3A_45 = arith.addi %mul3A_25, %add3A_44 : i32
        %mul3A_46 = arith.constant 8192 : i32
        %mul3A_47 = arith.muli %add3A_45, %mul3A_46 : i32
        %add3A_48 = arith.addi %mul3A_9, %mul3A_47 : i32
        %dma_start3A_49 = tpu.memref_slice %arg2[%add3A_48] : memref<9961472xi32, #tpu.memory_space<hbm>> -> memref<8192xi32, #tpu.memory_space<hbm>>
        %dma_start3A_50 = tpu.memref_slice %arg2[%add3A_48] : memref<9961472xi32, #tpu.memory_space<hbm>> -> memref<8192xi32, #tpu.memory_space<hbm>>
        tpu.enqueue_dma source(%dma_start3A_50 : memref<8192xi32, #tpu.memory_space<hbm>>) target(%arg4 : memref<8192xi32, #tpu.memory_space<vmem>>) target_semaphore(%arg7 : memref<!tpu.dma_semaphore, #tpu.memory_space<semaphore_mem>>)
      } else {
      }
      %parallel_loop3A_40 = arith.constant 0 : i32
      %parallel_loop3A_41 = arith.constant 512 : i32
      %parallel_loop3A_42 = arith.constant 1 : i32
      scf.for %parallel_loop3A_44 = %parallel_loop3A_40 to %parallel_loop3A_41 step %parallel_loop3A_42  : i32 {
        %parallel_loop3A_45 = arith.constant 16 : i32
        %parallel_loop3A_46 = arith.muli %parallel_loop3A_44, %parallel_loop3A_45 : i32
        %parallel_loop3A_47 = arith.index_cast %parallel_loop3A_46 : i32 to index
        %parallel_loop3A_48 = tpu.vector_load %arg5[%parallel_loop3A_47] {strides = array<i32>} : memref<8192xi32, #tpu.memory_space<vmem>>, vector<16xi32>,
        %parallel_loop3A_49 = arith.constant 65535 : i32
        %parallel_loop3A_50 = vector.broadcast %parallel_loop3A_49 : i32 to vector<16xi32>
        %parallel_loop3A_51 = arith.andi %parallel_loop3A_48, %parallel_loop3A_50 : vector<16xi32>
        %parallel_loop3A_52 = arith.constant 16 : i32
        %parallel_loop3A_53 = vector.broadcast %parallel_loop3A_52 : i32 to vector<16xi32>
        %parallel_loop3A_54 = arith.shrui %parallel_loop3A_48, %parallel_loop3A_53 : vector<16xi32>
        %parallel_loop3A_55 = arith.constant 4 : i32
        %parallel_loop3A_56 = vector.broadcast %parallel_loop3A_55 : i32 to vector<16xi32>
        %parallel_loop3A_57 = arith.shli %parallel_loop3A_51, %parallel_loop3A_56 : vector<16xi32>
        %parallel_loop3A_58 = arith.ori %parallel_loop3A_57, %iota3A : vector<16xi32>
        tpu.vector_store_idx %arg6[%parallel_loop3A_58], %broadcast_in_dim3A_11 {add = true} : memref<77824xi32, #tpu.memory_space<vmem>>[vector<16xi32>], vector<16xi32>,
        %parallel_loop3A_59 = arith.constant 4 : i32
        %parallel_loop3A_60 = vector.broadcast %parallel_loop3A_59 : i32 to vector<16xi32>
        %parallel_loop3A_61 = arith.shli %parallel_loop3A_54, %parallel_loop3A_60 : vector<16xi32>
        %parallel_loop3A_62 = arith.ori %parallel_loop3A_61, %iota3A : vector<16xi32>
        tpu.vector_store_idx %arg6[%parallel_loop3A_62], %broadcast_in_dim3A_11 {add = true} : memref<77824xi32, #tpu.memory_space<vmem>>[vector<16xi32>], vector<16xi32>,
      } {sc.loop_unroll_factor = 8 : i64, sc.parallel_access}
      %scan3A_43 = arith.constant 0 : i32
      scf.yield %scan3A_43 : i32
    }
    %scan3A_21 = arith.constant 19 : i32
    "tpu.region"() ({
      %run_scoped3A = tpu.sem_alloc : memref<!tpu.dma_semaphore, #tpu.memory_space<semaphore_mem>>
      %dma_start3A_22 = arith.constant 0 : i32
      %dma_start3A_23 = tpu.memref_slice %arg3[%add3A, %dma_start3A_22] : memref<32x77824xi32, #tpu.memory_space<hbm>> -> memref<1x77824xi32, #tpu.memory_space<hbm>>
      %dma_start3A_24 = tpu.memref_squeeze %dma_start3A_23 : memref<1x77824xi32, #tpu.memory_space<hbm>> -> memref<77824xi32, #tpu.memory_space<hbm>>
      %dma_start3A_25 = arith.constant 0 : i32
      %dma_start3A_26 = tpu.memref_slice %arg3[%add3A, %dma_start3A_25] : memref<32x77824xi32, #tpu.memory_space<hbm>> -> memref<1x77824xi32, #tpu.memory_space<hbm>>
      %dma_start3A_27 = tpu.memref_squeeze %dma_start3A_26 : memref<1x77824xi32, #tpu.memory_space<hbm>> -> memref<77824xi32, #tpu.memory_space<hbm>>
      tpu.enqueue_dma source(%arg6 : memref<77824xi32, #tpu.memory_space<vmem>>) target(%dma_start3A_27 : memref<77824xi32, #tpu.memory_space<hbm>>) target_semaphore(%run_scoped3A : memref<!tpu.dma_semaphore, #tpu.memory_space<semaphore_mem>>)
      %dma_wait3A = arith.constant 0 : i32
      %dma_wait3A_28 = tpu.memref_slice %arg3[%add3A, %dma_wait3A] : memref<32x77824xi32, #tpu.memory_space<hbm>> -> memref<1x77824xi32, #tpu.memory_space<hbm>>
      %dma_wait3A_29 = tpu.memref_squeeze %dma_wait3A_28 : memref<1x77824xi32, #tpu.memory_space<hbm>> -> memref<77824xi32, #tpu.memory_space<hbm>>
      %dma_wait3A_30 = arith.constant 0 : i32
      %dma_wait3A_31 = tpu.memref_slice %arg3[%add3A, %dma_wait3A_30] : memref<32x77824xi32, #tpu.memory_space<hbm>> -> memref<1x77824xi32, #tpu.memory_space<hbm>>
      %dma_wait3A_32 = tpu.memref_squeeze %dma_wait3A_31 : memref<1x77824xi32, #tpu.memory_space<hbm>> -> memref<77824xi32, #tpu.memory_space<hbm>>
      tpu.wait_dma2 semaphore(%run_scoped3A : memref<!tpu.dma_semaphore, #tpu.memory_space<semaphore_mem>>) src(%arg6 : memref<77824xi32, #tpu.memory_space<vmem>>) dst(%dma_wait3A_32 : memref<77824xi32, #tpu.memory_space<hbm>>)
      tpu.yield
    }) : () -> ()
    return
  }
}

module attributes {stable_mosaic.version = 14 : i64} {
  func.func @_bin_body(%arg0: i32, %arg1: i32, %arg2: memref<1x19x256x128xf32, #tpu.memory_space<vmem>>, %arg3: memref<1x256x128xi32, #tpu.memory_space<vmem>>, %arg4: memref<1x19x128x128xi32, #tpu.memory_space<vmem>>) attributes {dimension_semantics = [#tpu.dimension_semantics<arbitrary>, #tpu.dimension_semantics<arbitrary>], iteration_bounds = array<i64: 4, 8>, scalar_prefetch = 0 : i64, scratch_operands = 0 : i64, tpu.core_type = #tpu.core_type<tc>, window_params = [{transform_indices = @transform_0, window_bounds = array<i64: 1, 19, 256, 128>}, {transform_indices = @transform_1, window_bounds = array<i64: 1, 256, 128>}, {transform_indices = @transform_2, window_bounds = array<i64: 1, 19, 128, 128>}]} {
    %get3A = arith.constant 0 : index
    %get3A_0 = arith.constant 0 : index
    %get3A_1 = arith.constant 0 : index
    %get3A_2 = arith.constant 0 : index
    %get3A_3 = vector.load %arg2[%get3A, %get3A_0, %get3A_1, %get3A_2] : memref<1x19x256x128xf32, #tpu.memory_space<vmem>>, vector<1x19x256x128xf32>
    %get3A_4 = vector.shape_cast %get3A_3 : vector<1x19x256x128xf32> to vector<19x256x128xf32>
    %exp3A = math.exp %get3A_4 : vector<19x256x128xf32>
    %reduce_sum3A = arith.constant dense<0.000000e+00> : vector<256x128xf32>
    %reduce_sum3A_5 = vector.multi_reduction <add>, %exp3A, %reduce_sum3A [0] : vector<19x256x128xf32> to vector<256x128xf32>
    %broadcast_in_dim3A = vector.shape_cast %reduce_sum3A_5 : vector<256x128xf32> to vector<1x256x128xf32>
    %div3A = vector.broadcast %broadcast_in_dim3A : vector<1x256x128xf32> to vector<19x256x128xf32>
    %div3A_6 = arith.divf %exp3A, %div3A : vector<19x256x128xf32>
    %sub3A = arith.constant 1.000000e+00 : f32
    %sub3A_7 = vector.broadcast %sub3A : f32 to vector<19x256x128xf32>
    %sub3A_8 = arith.subf %sub3A_7, %div3A_6 : vector<19x256x128xf32>
    %mul3A = arith.constant 1.280000e+02 : f32
    %mul3A_9 = vector.broadcast %mul3A : f32 to vector<19x256x128xf32>
    %mul3A_10 = arith.mulf %sub3A_8, %mul3A_9 : vector<19x256x128xf32>
    %convert_element_type3A = arith.fptosi %mul3A_10 : vector<19x256x128xf32> to vector<19x256x128xi32>
    %min3A = arith.constant 127 : i32
    %min3A_11 = vector.broadcast %min3A : i32 to vector<19x256x128xi32>
    %min3A_12 = arith.minsi %convert_element_type3A, %min3A_11 : vector<19x256x128xi32>
    %get3A_13 = arith.constant 0 : index
    %get3A_14 = arith.constant 0 : index
    %get3A_15 = arith.constant 0 : index
    %get3A_16 = vector.load %arg3[%get3A_13, %get3A_14, %get3A_15] : memref<1x256x128xi32, #tpu.memory_space<vmem>>, vector<1x256x128xi32>
    %get3A_17 = vector.shape_cast %get3A_16 : vector<1x256x128xi32> to vector<256x128xi32>
    %iota3A = tpu.iota {dimensions = array<i32: 0>} : vector<19x256x128xi32>
    %broadcast_in_dim3A_18 = vector.shape_cast %get3A_17 : vector<256x128xi32> to vector<1x256x128xi32>
    %eq3A = vector.broadcast %broadcast_in_dim3A_18 : vector<1x256x128xi32> to vector<19x256x128xi32>
    %eq3A_19 = arith.cmpi eq, %eq3A, %iota3A : vector<19x256x128xi32>
    %convert_element_type3A_20 = arith.extui %eq3A_19 : vector<19x256x128xi1> to vector<19x256x128xi32>
    %mul3A_21 = arith.constant 2 : i32
    %mul3A_22 = vector.broadcast %mul3A_21 : i32 to vector<19x256x128xi32>
    %mul3A_23 = arith.muli %iota3A, %mul3A_22 : vector<19x256x128xi32>
    %add3A = arith.addi %mul3A_23, %convert_element_type3A_20 : vector<19x256x128xi32>
    %mul3A_24 = arith.constant 128 : i32
    %mul3A_25 = vector.broadcast %mul3A_24 : i32 to vector<19x256x128xi32>
    %mul3A_26 = arith.muli %add3A, %mul3A_25 : vector<19x256x128xi32>
    %add3A_27 = arith.addi %mul3A_26, %min3A_12 : vector<19x256x128xi32>
    %slice3A = vector.extract_strided_slice %add3A_27 {offsets = [0, 0, 0], sizes = [19, 128, 128], strides = [1, 1, 1]} : vector<19x256x128xi32> to vector<19x128x128xi32>
    %slice3A_28 = vector.extract_strided_slice %add3A_27 {offsets = [0, 128, 0], sizes = [19, 128, 128], strides = [1, 1, 1]} : vector<19x256x128xi32> to vector<19x128x128xi32>
    %shift_left3A = arith.constant 16 : i32
    %shift_left3A_29 = vector.broadcast %shift_left3A : i32 to vector<19x128x128xi32>
    %shift_left3A_30 = arith.shli %slice3A_28, %shift_left3A_29 : vector<19x128x128xi32>
    %or3A = arith.ori %slice3A, %shift_left3A_30 : vector<19x128x128xi32>
    %swap3A = arith.constant 0 : index
    %swap3A_31 = arith.constant 0 : index
    %swap3A_32 = arith.constant 0 : index
    %swap3A_33 = arith.constant 0 : index
    %swap3A_34 = vector.load %arg4[%swap3A, %swap3A_31, %swap3A_32, %swap3A_33] : memref<1x19x128x128xi32, #tpu.memory_space<vmem>>, vector<1x19x128x128xi32>
    %swap3A_35 = vector.shape_cast %swap3A_34 : vector<1x19x128x128xi32> to vector<19x128x128xi32>
    %swap3A_36 = vector.shape_cast %or3A : vector<19x128x128xi32> to vector<1x19x128x128xi32>
    tpu.vector_store %arg4[%swap3A, %swap3A_31, %swap3A_32, %swap3A_33], %swap3A_36 {strides = array<i32>} : memref<1x19x128x128xi32, #tpu.memory_space<vmem>>, vector<1x19x128x128xi32>,
    return
  }
  func.func @transform_0(%arg0: i32, %arg1: i32) -> (i32, i32, i32, i32) {
    %c0_i32 = arith.constant 0 : i32
    %c0_i32_0 = arith.constant 0 : i32
    %c0_i32_1 = arith.constant 0 : i32
    return %arg0, %c0_i32, %arg1, %c0_i32_0 : i32, i32, i32, i32
  }
  func.func @transform_1(%arg0: i32, %arg1: i32) -> (i32, i32, i32) {
    %c0_i32 = arith.constant 0 : i32
    %c0_i32_0 = arith.constant 0 : i32
    return %arg0, %arg1, %c0_i32 : i32, i32, i32
  }
  func.func @transform_2(%arg0: i32, %arg1: i32) -> (i32, i32, i32, i32) {
    %c0_i32 = arith.constant 0 : i32
    %c0_i32_0 = arith.constant 0 : i32
    %c0_i32_1 = arith.constant 0 : i32
    return %arg0, %c0_i32, %arg1, %c0_i32_0 : i32, i32, i32, i32
  }
}

module attributes {stable_mosaic.version = 14 : i64} {
  func.func @_loss_body(%arg0: memref<32x38x2048xi32, #tpu.memory_space<vmem>>, %arg1: memref<1x1xf32, #tpu.memory_space<vmem>>) attributes {dimension_semantics = [], scalar_prefetch = 0 : i64, scratch_operands = 0 : i64, tpu.core_type = #tpu.core_type<tc>} {
    %get3A = arith.constant 0 : index
    %get3A_0 = arith.constant 0 : index
    %get3A_1 = arith.constant 0 : index
    %get3A_2 = vector.load %arg0[%get3A, %get3A_0, %get3A_1] : memref<32x38x2048xi32, #tpu.memory_space<vmem>>, vector<32x38x2048xi32>
    %reduce_sum3A = arith.constant dense<0> : vector<38x2048xi32>
    %reduce_sum3A_3 = vector.multi_reduction <add>, %get3A_2, %reduce_sum3A [0] : vector<32x38x2048xi32> to vector<38x2048xi32>
    %convert_element_type3A = arith.sitofp %reduce_sum3A_3 : vector<38x2048xi32> to vector<38x2048xf32>
    %iota3A = tpu.iota {dimensions = array<i32: 0>} : vector<2048x128xi32>
    %jit3A = arith.constant 16 : i32
    %div3A = vector.broadcast %jit3A : i32 to vector<2048x128xi32>
    %div3A_4 = arith.divsi %iota3A, %div3A : vector<2048x128xi32>
    %sign3A = arith.constant 0 : i32
    %sign3A_5 = vector.broadcast %sign3A : i32 to vector<2048x128xi32>
    %sign3A_6 = arith.cmpi sgt, %iota3A, %sign3A_5 : vector<2048x128xi32>
    %sign3A_7 = arith.extui %sign3A_6 : vector<2048x128xi1> to vector<2048x128xi32>
    %sign3A_8 = arith.constant 0 : i32
    %sign3A_9 = vector.broadcast %sign3A_8 : i32 to vector<2048x128xi32>
    %sign3A_10 = arith.cmpi slt, %iota3A, %sign3A_9 : vector<2048x128xi32>
    %sign3A_11 = arith.extui %sign3A_10 : vector<2048x128xi1> to vector<2048x128xi32>
    %sign3A_12 = arith.subi %sign3A_7, %sign3A_11 : vector<2048x128xi32>
    %sign3A_13 = arith.constant 0 : i32
    %sign3A_14 = arith.cmpi sgt, %jit3A, %sign3A_13 : i32
    %sign3A_15 = arith.extui %sign3A_14 : i1 to i32
    %sign3A_16 = arith.constant 0 : i32
    %sign3A_17 = arith.cmpi slt, %jit3A, %sign3A_16 : i32
    %sign3A_18 = arith.extui %sign3A_17 : i1 to i32
    %sign3A_19 = arith.subi %sign3A_15, %sign3A_18 : i32
    %ne3A = vector.broadcast %sign3A_19 : i32 to vector<2048x128xi32>
    %ne3A_20 = arith.cmpi ne, %sign3A_12, %ne3A : vector<2048x128xi32>
    %rem3A = vector.broadcast %jit3A : i32 to vector<2048x128xi32>
    %rem3A_21 = arith.remsi %iota3A, %rem3A : vector<2048x128xi32>
    %ne3A_22 = arith.constant 0 : i32
    %ne3A_23 = vector.broadcast %ne3A_22 : i32 to vector<2048x128xi32>
    %ne3A_24 = arith.cmpi ne, %rem3A_21, %ne3A_23 : vector<2048x128xi32>
    %and3A = arith.andi %ne3A_20, %ne3A_24 : vector<2048x128xi1>
    %sub3A = arith.constant 1 : i32
    %sub3A_25 = vector.broadcast %sub3A : i32 to vector<2048x128xi32>
    %sub3A_26 = arith.subi %div3A_4, %sub3A_25 : vector<2048x128xi32>
    %select_n3A = arith.select %and3A, %sub3A_26, %div3A_4 : vector<2048x128xi1>, vector<2048x128xi32>
    %iota3A_27 = tpu.iota {dimensions = array<i32: 1>} : vector<2048x128xi32>
    %eq3A = arith.cmpi eq, %select_n3A, %iota3A_27 : vector<2048x128xi32>
    %convert_element_type3A_28 = arith.extui %eq3A : vector<2048x128xi1> to vector<2048x128xi32>
    %convert_element_type3A_29 = arith.sitofp %convert_element_type3A_28 : vector<2048x128xi32> to vector<2048x128xf32>
    %le3A = arith.cmpi sle, %select_n3A, %iota3A_27 : vector<2048x128xi32>
    %convert_element_type3A_30 = arith.extui %le3A : vector<2048x128xi1> to vector<2048x128xi32>
    %convert_element_type3A_31 = arith.sitofp %convert_element_type3A_30 : vector<2048x128xi32> to vector<2048x128xf32>
    %dot_general3A = arith.constant dense<0.000000e+00> : vector<38x128xf32>
    %dot_general3A_32 = tpu.matmul %convert_element_type3A, %convert_element_type3A_29, %dot_general3A {dimension_numbers = #tpu.dot_dimension_numbers<[1], [0], [0], [1], [0, 0, 1, 1], [], []>, transpose_lhs_hint = false} : vector<38x2048xf32>, vector<2048x128xf32>, vector<38x128xf32> -> vector<38x128xf32>
    %dot_general3A_33 = arith.constant dense<0.000000e+00> : vector<38x128xf32>
    %dot_general3A_34 = tpu.matmul %convert_element_type3A, %convert_element_type3A_31, %dot_general3A_33 {dimension_numbers = #tpu.dot_dimension_numbers<[1], [0], [0], [1], [0, 0, 1, 1], [], []>, transpose_lhs_hint = false} : vector<38x2048xf32>, vector<2048x128xf32>, vector<38x128xf32> -> vector<38x128xf32>
    %reshape3A = vector.shape_cast %dot_general3A_32 : vector<38x128xf32> to vector<19x2x128xf32>
    %reshape3A_35 = vector.shape_cast %dot_general3A_34 : vector<38x128xf32> to vector<19x2x128xf32>
    %slice3A = vector.extract_strided_slice %reshape3A {offsets = [0, 0, 0], sizes = [19, 1, 128], strides = [1, 1, 1]} : vector<19x2x128xf32> to vector<19x1x128xf32>
    %squeeze3A = vector.shape_cast %slice3A : vector<19x1x128xf32> to vector<19x128xf32>
    %slice3A_36 = vector.extract_strided_slice %reshape3A {offsets = [0, 1, 0], sizes = [19, 1, 128], strides = [1, 1, 1]} : vector<19x2x128xf32> to vector<19x1x128xf32>
    %squeeze3A_37 = vector.shape_cast %slice3A_36 : vector<19x1x128xf32> to vector<19x128xf32>
    %add3A = arith.addf %squeeze3A, %squeeze3A_37 : vector<19x128xf32>
    %slice3A_38 = vector.extract_strided_slice %reshape3A {offsets = [0, 1, 0], sizes = [19, 1, 128], strides = [1, 1, 1]} : vector<19x2x128xf32> to vector<19x1x128xf32>
    %squeeze3A_39 = vector.shape_cast %slice3A_38 : vector<19x1x128xf32> to vector<19x128xf32>
    %slice3A_40 = vector.extract_strided_slice %reshape3A_35 {offsets = [0, 0, 0], sizes = [19, 1, 128], strides = [1, 1, 1]} : vector<19x2x128xf32> to vector<19x1x128xf32>
    %squeeze3A_41 = vector.shape_cast %slice3A_40 : vector<19x1x128xf32> to vector<19x128xf32>
    %slice3A_42 = vector.extract_strided_slice %reshape3A_35 {offsets = [0, 1, 0], sizes = [19, 1, 128], strides = [1, 1, 1]} : vector<19x2x128xf32> to vector<19x1x128xf32>
    %squeeze3A_43 = vector.shape_cast %slice3A_42 : vector<19x1x128xf32> to vector<19x128xf32>
    %add3A_44 = arith.addf %squeeze3A_41, %squeeze3A_43 : vector<19x128xf32>
    %slice3A_45 = vector.extract_strided_slice %reshape3A_35 {offsets = [0, 1, 0], sizes = [19, 1, 128], strides = [1, 1, 1]} : vector<19x2x128xf32> to vector<19x1x128xf32>
    %squeeze3A_46 = vector.shape_cast %slice3A_45 : vector<19x1x128xf32> to vector<19x128xf32>
    %slice3A_47 = vector.extract_strided_slice %squeeze3A_46 {offsets = [0, 127], sizes = [19, 1], strides = [1, 1]} : vector<19x128xf32> to vector<19x1xf32>
    %sub3A_48 = arith.constant 0x49800000 : f32
    %sub3A_49 = vector.broadcast %sub3A_48 : f32 to vector<19x128xf32>
    %sub3A_50 = arith.subf %sub3A_49, %add3A_44 : vector<19x128xf32>
    %sub3A_51 = vector.broadcast %slice3A_47 : vector<19x1xf32> to vector<19x128xf32>
    %sub3A_52 = arith.subf %sub3A_51, %squeeze3A_46 : vector<19x128xf32>
    %add3A_53 = arith.addf %sub3A_50, %add3A : vector<19x128xf32>
    %add3A_54 = arith.addf %sub3A_52, %squeeze3A_39 : vector<19x128xf32>
    %add3A_55 = vector.broadcast %slice3A_47 : vector<19x1xf32> to vector<19x128xf32>
    %add3A_56 = arith.addf %add3A_55, %add3A_53 : vector<19x128xf32>
    %sub3A_57 = arith.subf %add3A_56, %add3A_54 : vector<19x128xf32>
    %add3A_58 = vector.broadcast %slice3A_47 : vector<19x1xf32> to vector<19x128xf32>
    %add3A_59 = arith.addf %add3A_58, %sub3A_50 : vector<19x128xf32>
    %sub3A_60 = arith.subf %add3A_59, %sub3A_52 : vector<19x128xf32>
    %gt3A = arith.constant 0.000000e+00 : f32
    %gt3A_61 = vector.broadcast %gt3A : f32 to vector<19x128xf32>
    %gt3A_62 = arith.cmpf ogt, %sub3A_57, %gt3A_61 : vector<19x128xf32>
    %sub3A_63 = vector.broadcast %slice3A_47 : vector<19x1xf32> to vector<19x128xf32>
    %sub3A_64 = arith.subf %sub3A_63, %add3A_54 : vector<19x128xf32>
    %gt3A_65 = arith.constant 0.000000e+00 : f32
    %gt3A_66 = vector.broadcast %gt3A_65 : f32 to vector<19x128xf32>
    %gt3A_67 = arith.cmpf ogt, %sub3A_57, %gt3A_66 : vector<19x128xf32>
    %jit3A_68 = arith.constant 1.000000e+00 : f32
    %broadcast_in_dim3A = vector.broadcast %jit3A_68 : f32 to vector<19x128xf32>
    %select_n3A_69 = arith.select %gt3A_67, %sub3A_57, %broadcast_in_dim3A : vector<19x128xi1>, vector<19x128xf32>
    %div3A_70 = arith.divf %sub3A_64, %select_n3A_69 : vector<19x128xf32>
    %sub3A_71 = arith.constant 1.000000e+00 : f32
    %sub3A_72 = vector.broadcast %sub3A_71 : f32 to vector<19x128xf32>
    %sub3A_73 = arith.subf %sub3A_72, %div3A_70 : vector<19x128xf32>
    %jit3A_74 = arith.constant 0.000000e+00 : f32
    %broadcast_in_dim3A_75 = vector.broadcast %jit3A_74 : f32 to vector<19x128xf32>
    %select_n3A_76 = arith.select %gt3A_62, %sub3A_73, %broadcast_in_dim3A_75 : vector<19x128xi1>, vector<19x128xf32>
    %gt3A_77 = arith.constant 0.000000e+00 : f32
    %gt3A_78 = vector.broadcast %gt3A_77 : f32 to vector<19x128xf32>
    %gt3A_79 = arith.cmpf ogt, %sub3A_60, %gt3A_78 : vector<19x128xf32>
    %sub3A_80 = vector.broadcast %slice3A_47 : vector<19x1xf32> to vector<19x128xf32>
    %sub3A_81 = arith.subf %sub3A_80, %sub3A_52 : vector<19x128xf32>
    %gt3A_82 = arith.constant 0.000000e+00 : f32
    %gt3A_83 = vector.broadcast %gt3A_82 : f32 to vector<19x128xf32>
    %gt3A_84 = arith.cmpf ogt, %sub3A_60, %gt3A_83 : vector<19x128xf32>
    %jit3A_85 = arith.constant 1.000000e+00 : f32
    %broadcast_in_dim3A_86 = vector.broadcast %jit3A_85 : f32 to vector<19x128xf32>
    %select_n3A_87 = arith.select %gt3A_84, %sub3A_60, %broadcast_in_dim3A_86 : vector<19x128xi1>, vector<19x128xf32>
    %div3A_88 = arith.divf %sub3A_81, %select_n3A_87 : vector<19x128xf32>
    %sub3A_89 = arith.constant 1.000000e+00 : f32
    %sub3A_90 = vector.broadcast %sub3A_89 : f32 to vector<19x128xf32>
    %sub3A_91 = arith.subf %sub3A_90, %div3A_88 : vector<19x128xf32>
    %jit3A_92 = arith.constant 0.000000e+00 : f32
    %broadcast_in_dim3A_93 = vector.broadcast %jit3A_92 : f32 to vector<19x128xf32>
    %select_n3A_94 = arith.select %gt3A_79, %sub3A_91, %broadcast_in_dim3A_93 : vector<19x128xi1>, vector<19x128xf32>
    %iota3A_95 = tpu.iota {dimensions = array<i32: 1>} : vector<19x128xi32>
    %convert_element_type3A_96 = arith.sitofp %iota3A_95 : vector<19x128xi32> to vector<19x128xf32>
    %add3A_97 = arith.constant 5.000000e-01 : f32
    %add3A_98 = vector.broadcast %add3A_97 : f32 to vector<19x128xf32>
    %add3A_99 = arith.addf %convert_element_type3A_96, %add3A_98 : vector<19x128xf32>
    %mul3A = arith.constant 7.812500e-03 : f32
    %mul3A_100 = vector.broadcast %mul3A : f32 to vector<19x128xf32>
    %mul3A_101 = arith.mulf %add3A_99, %mul3A_100 : vector<19x128xf32>
    %sub3A_102 = arith.subf %select_n3A_76, %select_n3A_94 : vector<19x128xf32>
    %mul3A_103 = arith.mulf %mul3A_101, %sub3A_102 : vector<19x128xf32>
    %reduce_sum3A_104 = vector.shape_cast %mul3A_103 : vector<19x128xf32> to vector<1x19x128xf32>
    %reduce_sum3A_105 = arith.constant dense<0.000000e+00> : vector<1xf32>
    %reduce_sum3A_106 = vector.multi_reduction <add>, %reduce_sum3A_104, %reduce_sum3A_105 [1, 2] : vector<1x19x128xf32> to vector<1xf32>
    %reduce_sum3A_107 = vector.shape_cast %reduce_sum3A_106 : vector<1xf32> to vector<1x1x1xf32>
    %reduce_sum3A_108 = vector.extract %reduce_sum3A_107[0, 0, 0] : f32 from vector<1x1x1xf32>
    %mul3A_109 = arith.constant 0.0526315793 : f32
    %mul3A_110 = arith.mulf %reduce_sum3A_108, %mul3A_109 : f32
    %reshape3A_111 = vector.broadcast %mul3A_110 : f32 to vector<1x1xf32>
    %swap3A = arith.constant 0 : index
    %swap3A_112 = arith.constant 0 : index
    %swap3A_113 = vector.load %arg1[%swap3A, %swap3A_112] : memref<1x1xf32, #tpu.memory_space<vmem>>, vector<1x1xf32>
    tpu.vector_store %arg1[%swap3A, %swap3A_112], %reshape3A_111 {strides = array<i32>} : memref<1x1xf32, #tpu.memory_space<vmem>>, vector<1x1xf32>,
    return
  }
}

</mosaic_0001>

<sc_bundles>
// kernel: kernel.5.cloned.1.call-start
scs
__scs_entry_jumppad:
0x0: {  	(pc) =	sbr.rel $0x88, $3  }
0x1: {  	(tag) =	ssettag $0x0;
	lr =	simm.s32 $0x1  }
0x2: {  	[smem:$0x3F9F] =	sst lr;
	_ =	strace $0xD0000000  }
0x3: {  	_ = 	snop  }
0x4: {  	_ = 	snop  }
0x5: {  	_ = 	snop  }
0x6: {  	_ = 	snop  }
0x7: {  	_ = 	snop  }
__scs_overlays_trampoline_lowered:
0x8: {  	[smem:$0x3FAE] =	sst s0  }
0x9: {  	[smem:$0x3FAF] =	sst s1  }
0xa: {  	[smem:$0x3FB0] =	sst s2  }
0xb: {  	[smem:$0x3FB1] =	sst s3  }
0xc: {  	[smem:$0x3FB2] =	sst s4  }
0xd: {  	[smem:$0x3FB3] =	sst s5  }
0xe: {  	[smem:$0x3FB4] =	sst s6  }
0xf: {  	[smem:$0x3FB5] =	sst s7  }
0x10: {  	[smem:$0x3FB6] =	sst s8  }
0x11: {  	[smem:$0x3FB7] =	sst s9;
	s0 =	simm.s32 @!p0 $0x0  }
0x12: {  	s1 =	sld [smem:$0x3F9D];
	s0 =	simm.s32 @p0 $0x1  }
0x13: {  	[smem:$0x3FB8] =	sst s0;
	s0 =	simm.s32 @!p1 $0x0  }
0x14: {  	s2 =	sld [smem:$0x3F9C];
	s0 =	simm.s32 @p1 $0x1  }
0x15: {  	[smem:$0x3FB9] =	sst s0;
	s0 =	simm.s32 @!p2 $0x0  }
0x16: {  	s3 =	sld [smem:$0x3FDB];
	s0 =	simm.s32 @p2 $0x1  }
0x17: {  	s4 =	simm.s32 $0x1BF5;
	[smem:$0x3FBB] =	sst s0  }
0x18: {  	s0 =	sld [smem:$0x3F9E];
	_ =	swait.ge [sflag:s4], $0x0  }
0x19: {  	s7 =	sld [smem:$0x3F9F]  }
0x1a: {  	s8 =	sadd.s32 $0xFFFFE003, lr  }
0x1b: {  	s9 =	sadd.s32 $0xFFFFFEF7, lr;
	s5 =	simm.s32 $0xFFFFFFFF;
	p2 =	slt.u32 s8, $0xFFFFF086  }
0x1c: {  	p1 =	slt.u32 s9, $0xF7A;
	s5 =	simm.s32 @!p2 $0x0  }
0x1d: {  	s5 =	simm.s32 @p1 $0x1;
	p0 =	seq.s32 s7, s2  }
0x1e: {  	s7 =	smul.u32 @!p0 $0xF7A, s2;
	p2 =	seq.s32 @!p0 s5, $0x0  }
0x1f: {  	s9 =	smul.u32 $0xF7A, s1;
	s8 =	simm.s32 @!p0 $0x1BF5;
	p2 =	por !p2, p0  }
0x20: {  	[sflag:s8] =	ssyncset.s32 @!p0 $0xFFFFF086;
	s6 =	sadd.s32 @!p0 s3, s7;
	s7 =	simm.s32 @!p0 $0x108  }
0x21: {  	s3 =	sadd.s32 s3, s9;
	s6 =	sadd.s32 @!p0 $0x88, s6;
	s7 =	simm.s32 @p2 $0x1082  }
0x22: {  	[simem:s7], [sflag:s8] =	dma.local @!p0 [hbm:s6], $0xF7A  }
0x23: {  	s9 =	sor.u32 $0xD0000000, s2;
	s6 =	simm.s32 $0x108;
	_ =	swait.ge @!p0 [sflag:s8], $0x0  }
0x24: {  	s3 =	sadd.s32 $0x88, s3;
	s6 =	simm.s32 @!p1 $0x1082;
	[sflag:s4] =	ssyncset.s32 $0xFFFFF086  }
0x25: {  	[simem:s6], [sflag:s4] =	dma.local [hbm:s3], $0xF7A  }
0x26: {  	[smem:$0x3F9F] =	sst s1;
	(tag) =	ssettag s2;
	_ =	strace s9  }
0x27: {  	s1 =	sld [smem:$0x3FAF]  }
0x28: {  	s2 =	sld [smem:$0x3FB0]  }
0x29: {  	s4 =	sld [smem:$0x3FB2]  }
0x2a: {  	p0 =	seq.s32 s5, $0x0;
	s5 =	sld [smem:$0x3FB3]  }
0x2b: {  	s6 =	sld [smem:$0x3FB4]  }
0x2c: {  	s7 =	sld [smem:$0x3FB5]  }
0x2d: {  	s3 =	simm.s32 $0x108;
	s8 =	sld [smem:$0x3FB6]  }
0x2e: {  	s3 =	simm.s32 @!p0 $0x1082;
	s9 =	sld [smem:$0x3FB7]  }
0x2f: {  	lr =	sadd.s32 s0, s3;
	s0 =	sld [smem:$0x3FAE]  }
0x30: {  	s3 =	sld [smem:$0x3FB1]  }
0x31: {  	[smem:$0x3FBA] =	sst s10  }
0x32: {  	s10 =	sld [smem:$0x3FB8];
	_ =	sdelay $0x3  }
0x33: {  	p0 =	seq.s32 s10, $0x1;
	s10 =	sld [smem:$0x3FBA];
	_ =	sdelay $0x3  }
0x34: {  	[smem:$0x3FBA] =	sst s10  }
0x35: {  	s10 =	sld [smem:$0x3FB9];
	_ =	sdelay $0x3  }
0x36: {  	p1 =	seq.s32 s10, $0x1;
	s10 =	sld [smem:$0x3FBA];
	_ =	sdelay $0x3  }
0x37: {  	[smem:$0x3FBA] =	sst s10  }
0x38: {  	s10 =	sld [smem:$0x3FBB]  }
0x39: {  	_ = 	snop;
	(pc) =	sbr.ind lr, $3  }
0x3a: {  	_ = 	snop  }
0x3b: {  	_ = 	snop  }
0x3c: {  	p2 =	seq.s32 s10, $0x1;
	s10 =	sld [smem:$0x3FBA]  }
0x3d: {  	_ =	shalt  }
0x3e: {  	_ =	shalt  }
0x3f: {  	_ =	shalt  }
0x40: {  	_ =	shalt  }
0x41: {  	_ =	shalt  }
0x42: {  	_ =	shalt  }
0x43: {  	_ =	shalt  }
0x44: {  	_ =	shalt  }
0x45: {  	_ =	shalt  }
0x46: {  	_ =	shalt  }
0x47: {  	_ =	shalt  }
0x48: {  	_ =	shalt  }
0x49: {  	_ =	shalt  }
0x4a: {  	_ =	shalt  }
0x4b: {  	_ =	shalt  }
0x4c: {  	_ =	shalt  }
0x4d: {  	_ =	shalt  }
0x4e: {  	_ =	shalt  }
0x4f: {  	_ =	shalt  }
0x50: {  	_ =	shalt  }
0x51: {  	_ =	shalt  }
0x52: {  	_ =	shalt  }
0x53: {  	_ =	shalt  }
0x54: {  	_ =	shalt  }
0x55: {  	_ =	shalt  }
0x56: {  	_ =	shalt  }
0x57: {  	_ =	shalt  }
0x58: {  	_ =	shalt  }
0x59: {  	_ =	shalt  }
0x5a: {  	_ =	shalt  }
0x5b: {  	_ =	shalt  }
0x5c: {  	_ =	shalt  }
0x5d: {  	_ =	shalt  }
0x5e: {  	_ =	shalt  }
0x5f: {  	_ =	shalt  }
0x60: {  	_ =	shalt  }
0x61: {  	_ =	shalt  }
0x62: {  	_ =	shalt  }
0x63: {  	_ =	shalt  }
0x64: {  	_ =	shalt  }
0x65: {  	_ =	shalt  }
0x66: {  	_ =	shalt  }
0x67: {  	_ =	shalt  }
0x68: {  	_ =	shalt  }
0x69: {  	_ =	shalt  }
0x6a: {  	_ =	shalt  }
0x6b: {  	_ =	shalt  }
0x6c: {  	_ =	shalt  }
0x6d: {  	_ =	shalt  }
0x6e: {  	_ =	shalt  }
0x6f: {  	_ =	shalt  }
0x70: {  	_ =	shalt  }
0x71: {  	_ =	shalt  }
0x72: {  	_ =	shalt  }
0x73: {  	_ =	shalt  }
0x74: {  	_ =	shalt  }
0x75: {  	_ =	shalt  }
0x76: {  	_ =	shalt  }
0x77: {  	_ =	shalt  }
0x78: {  	_ =	shalt  }
0x79: {  	_ =	shalt  }
0x7a: {  	_ =	shalt  }
0x7b: {  	_ =	shalt  }
0x7c: {  	_ =	shalt  }
0x7d: {  	_ =	shalt  }
0x7e: {  	_ =	shalt  }
0x7f: {  	_ =	shalt  }
0x80: {  	_ =	shalt  }
0x81: {  	_ =	shalt  }
0x82: {  	_ =	shalt  }
0x83: {  	_ =	shalt  }
0x84: {  	_ =	shalt  }
0x85: {  	_ =	shalt  }
0x86: {  	_ =	shalt  }
0x87: {  	_ =	shalt  }
.Lfunc_end0:
.L_simem_size_0:
called_computation_lowered:
.L_overlay_start_0:
0x88: {  	s2 =	sld [smem:$0x3FD9]  }
0x89: {  	s3 =	sld [smem:$0x3FFE];
	_ =	sdelay $0x1  }
0x8a: {  	s1 =	srdreg.scid  }
0x8b: {  	s0 =	sand.u32 $0x1, s1  }
0x8c: {  	s16 =	sshll.u32 s0, $0xA;
	s2 =	sadd.s32 s3, s2  }
0x8d: {  	s2 =	sadd.s32 s2, s16  }
0x8e: {  	[smem:$0x3FC6] =	sst s2  }
0x8f: {  	_ = 	snop  }
0x90: {  	(tm) =	ssettm $0x1  }
0x91: {  	s17 =	sld [smem:$0x3FFB];
	_ =	sdelay $0x3  }
0x92: {  	_ =	strace s17  }
0x93: {  	s2 =	sld [smem:$0x3FFC];
	_ =	sdelay $0x3  }
0x94: {  	_ =	strace s2  }
0x95: {  	s2 =	sld [smem:$0x3FFD];
	_ =	sdelay $0x3  }
0x96: {  	_ =	strace s2  }
0x97: {  	_ =	strace $0x8FFFFFFF  }
0x98: {  	s18 =	sld [smem:$0x3FDB];
	_ =	sdelay $0x1  }
0x99: {  	s19 =	simm.s32 $_scs_section_size  }
0x9a: {  	s4 =	simm.s32 $_size__tile_overlayer_lowered;
	s5 =	simm.s32 $_tile_overlayer_lowered  }
0x9b: {  	s22 =	simm.s32 $0x1BFF;
	s21 =	sshll.u32 s5, $0x1;
	s2 =	sadd.s32 s19, s18  }
0x9c: {  	s6 =	simm.s32 $0x0;
	s20 =	sshll.u32 s4, $0x1;
	s4 =	sadd.s32 s21, s2  }
0x9d: {  	[timem:s6], [sflag:s22] =	dma.local [hbm:s4], s20  }
0x9e: {  	_ =	swait.ge [sflag:s22], s20  }
0x9f: {  	s3 =	ssub.s32 $0x0, s20;
	[sflag:s22] =	ssyncset.done $0x0  }
0xa0: {  	[sflag:s22] =	ssyncadd.s32 s3;
	_ =	sdelay $0x1  }
0xa1: {  	s23 =	simm.s32 $0x1B8B  }
0xa2: {  	_ =	swait.ge [sflag:s23], $0x1  }
0xa3: {  	[sflag:s23] =	ssyncset.done $0x0  }
0xa4: {  	s25 =	simm.s32 $0x1B8E;
	s24 =	sld [smem:$0x3FFE];
	[sflag:s23] =	ssyncadd.s32 $0xFFFFFFFF  }
0xa5: {  	s26 =	simm.s32 $execute0_lowered;
	[smem:$0x3FD2] =	sst s25  }
0xa6: {  	s4 =	sshll.u32 s26, $0x1;
	_ =	strace $0x80000046;
	[dreg:$0x1] =	wrdreg $0xFFFFFFFF  }
0xa7: {  	s28 =	simm.s32 $_size_execute0_lowered;
	s2 =	sadd.s32 s2, s4;
	[dreg:$0x0] =	wrdreg $0x0  }
0xa8: {  	s4 =	sshll.u32 s28, $0x1;
	[dreg:$0x2] =	wrdreg s2  }
0xa9: {  	[dreg:$0x3] =	wrdreg s4  }
0xaa: {  	[dreg:$0x4] =	wrdreg $0xC0  }
0xab: {  	_ =	task [dreg:s6], $0x5FFFF  }
0xac: {  	[dreg:$0x1] =	wrdreg $0xFFFFFFFF  }
0xad: {  	[dreg:$0x0] =	wrdreg $0x60  }
0xae: {  	[dreg:$0x2] =	wrdreg s24  }
0xaf: {  	[dreg:$0x3] =	wrdreg $0x9  }
0xb0: {  	_ =	task.clear_ibuf [dreg:s6], $0x4FFFF;
	_ =	strace $0x90000046  }
0xb1: {  	s29 =	simm.s32 $0x9;
	_ =	strace $0x80000048  }
0xb2: {  	_ =	swait.ge [sflag:s29], $0x1  }
0xb3: {  	[sflag:s29] =	ssyncadd.s32 $0xFFFFFFFF  }
0xb4: {  	_ =	strace $0x90000048  }
0xb5: {  	_ =	sfence  }
0xb6: {  	s30 =	sld [smem:$0x0];
	_ =	sdelay $0x2  }
0xb7: {  	s31 =	sshll.u32 s1, $0xD;
	s1 =	sshrl.u32 s1, $0x2  }
0xb8: {  	s3 =	sand.u32 $0x4000, s31;
	s1 =	sadd.s32 s1, s30  }
0xb9: {  	s0 =	sor.u32 s3, s0;
	s1 =	sshll.u32 s1, $0x11  }
0xba: {  	s0 =	sor.u32 s1, s0  }
0xbb: {  	s0 =	sadd.s32 $0x8F2B, s0  }
0xbc: {  	[sflag:s0] =	ssyncadd.remote.s32 $0x1  }
0xbd: {  	_ =	sfence.sel $0xFFFF  }
0xbe: {  	[dreg:$0x0] =	wrdreg $0xFFFFFFFF;
	(pc) =	sbr.abs _section_cstart, $3  }
0xbf: {  	[dreg:$0x1] =	wrdreg $0xFFFFFFFF  }
0xc0: {  	_ =	task.clear_ibuf [dreg:s6], $0x2FFFF;
	_ =	strace $0x9FFFFFFF  }
0xc1: {  	(tm) =	ssettm $0x7FFFFFFF  }
tec
execute0_lowered:
.L_overlay_start_1:
0x0: {  	(tag) =	ssettag $0x1  }
0x1: {  	s4 =	rddreg [dreg:$0x0]  }
0x2: {  	s2 =	srdreg.scid;
	s1 =	stileid.u32  }
0x3: {  	s0 =	rddreg [dreg:$0x1];
	s12 =	simm.s32 $0x2;
	s13 =	simm.s32 $0x80  }
0x4: {  	s14 =	simm.s32 $0x400;
	s15 =	simm.s32 $0x3;
	s16 =	simm.s32 $0x0  }
0x5: {  	s5 =	sand.u32 $0x1, s2;
	s3 =	sshll.u32 s1, $0x1;
	s2 =	simm.s32 $0x0  }
0x6: {  	s6 =	sshrl.u32 s1, $0x2;
	s3 =	sor.u32 s5, s3;
	[smem:$0x7FF] =	sst s2  }
0x7: {  	s6 =	smul.u32 $0x98000, s6;
	s5 =	ssub.s32 $0x2, s5;
	s7 =	sshll.u32 s3, $0x7  }
0x8: {  	_ =	strace $0x80000047;
	s8 =	smul.u32 $0x4C000, s3;
	s7 =	sand.u32 $0x380, s7  }
0x9: {  	s3 =	sadd.s32 $0x260400, s4;
	s31 =	sshrl.u32 s5, $0x1;
	s6 =	sor.u32 s6, s7  }
0xa: {  	s11 =	ssub.s32 s5, s31;
	s9 =	sshrl.u32 s8, $0x3;
	s6 =	sshrl.u32 s6, $0x3  }
0xb: {  	s5 =	sor.u32 $0x2000, s8;
	s10 =	sadd.s32 s6, s4;
	s4 =	sadd.s32 s3, s9  }
0xc: {  	s6 =	sadd.s32 $0x4000, s8;
	s8 =	smax.u32 s11, $0x1;
	s9 =	simm.s32 $0x1  }
0xd: {  	v0 =	vimm.s32 $0x0;
	v1 =	vlaneseq.u32;
	v2 =	vimm.s32 $0x1;
	s11 =	simm.s32 $0x4000;
	s7 =	sadd.s32 $0x400, s10;
	s10 =	simm.s32 $0x2000  }
.LBB2_1:
0xe: {  	s17 =	simm.s32 $0x0;
	s18 =	simm.s32 $0x200  }
.LBB2_2:
0xf: {  	p0 =	sne.s32 s18, $0x4BE00;
	[tilespmem:s17+$0x4070] =	vst v0  }
0x10: {  	[tilespmem:s17+$0x4000] =	vst v0  }
0x11: {  	[tilespmem:s17+$0x4010] =	vst v0  }
.Ltmp0:
0x12: {  	[tilespmem:s17+$0x4020] =	vst v0;
	(pc) =	sbr.rel @p0 .LBB2_2-.Ltmp0, $4  }
0x13: {  	[tilespmem:s17+$0x4030] =	vst v0  }
0x14: {  	[tilespmem:s17+$0x4040] =	vst v0  }
0x15: {  	[tilespmem:s17+$0x4050] =	vst v0  }
0x16: {  	[tilespmem:s17+$0x4060] =	vst v0;
	s17 =	sshra.s32 s18, $0x2;
	s18 =	sadd.s32 $0x200, s18  }
0x17: {  	[tilespmem:s17+$0x4070] =	vst v0  }
0x18: {  	[tilespmem:s17+$0x4000] =	vst v0  }
0x19: {  	[tilespmem:s17+$0x4010] =	vst v0  }
0x1a: {  	[tilespmem:s17+$0x4020] =	vst v0  }
0x1b: {  	[tilespmem:s17+$0x4030] =	vst v0  }
0x1c: {  	[tilespmem:s17+$0x4040] =	vst v0  }
0x1d: {  	[tilespmem:s17+$0x4050] =	vst v0  }
0x1e: {  	[tilespmem:s17+$0x4060] =	vst v0;
	s17 =	simm.s32 $0x0  }
0x1f: {  	[tilespmem:s17], [sflag:$0x1] =	stream.linear.gather [hbm4b:s4+s17], $0x2000, $0x38;
	[tilespmem:$0x17000] =	vst v63  }
.LBB2_4:
0x20: {  	s18 =	sshll.u32 s17, $0xE  }
0x21: {  	_ =	swait.ge [sflag:s9], $0x2000;
	s19 =	sadd.s32 s18, s5  }
0x22: {  	[sflag:s9] =	ssyncset.done $0x0;
	s19 =	sshrl.u32 s19, $0x3  }
0x23: {  	s31 =	simm.s32 $0x40;
	[sflag:s9] =	ssyncadd.s32 $0xFFFFE000;
	s19 =	sadd.s32 s3, s19  }
0x24: {  	[tilespmem:s10], [sflag:$0x2] =	stream.linear.gather [hbm4b:s19+s2], $0x2000, $0x38;
	[tilespmem:$0x17000] =	vst v63  }
0x25: {  	v3 =	vld [tilespmem:s31+$0x30]  }
0x26: {  	v4 =	vld [tilespmem:s31+$0xFFFFFFD0]  }
0x27: {  	v5 =	vld [tilespmem:s31+$0xFFFFFFE0]  }
0x28: {  	v6 =	vld [tilespmem:s31+$0xFFFFFFF0]  }
0x29: {  	v7 =	vld [tilespmem:s31+$0x0]  }
0x2a: {  	v8 =	vld [tilespmem:s31+$0x10]  }
0x2b: {  	v11 =	vld [tilespmem:s31+$0x20]  }
0x2c: {  	v12 =	vld [tilespmem:s31+$0xFFFFFFC0]  }
0x2d: {  	v9 =	vshll.u32 v3, $0x4;
	v10 =	vshll.u32 v4, $0x4;
	v3 =	vshrl.u32 v3, $0xC  }
0x2e: {  	v4 =	vshrl.u32 v4, $0xC;
	v13 =	vshll.u32 v5, $0x4;
	v5 =	vshrl.u32 v5, $0xC  }
0x2f: {  	v14 =	vshll.u32 v6, $0x4;
	v6 =	vshrl.u32 v6, $0xC;
	v15 =	vshll.u32 v7, $0x4  }
0x30: {  	v7 =	vshrl.u32 v7, $0xC;
	v16 =	vshll.u32 v8, $0x4;
	v8 =	vshrl.u32 v8, $0xC  }
0x31: {  	v17 =	vshll.u32 v11, $0x4;
	v11 =	vshrl.u32 v11, $0xC;
	v18 =	vshll.u32 v12, $0x4  }
0x32: {  	v12 =	vshrl.u32 v12, $0xC;
	v9 =	vor.u32 v1, v9;
	v3 =	vand.u32 $0xFFFF0, v3  }
0x33: {  	v10 =	vor.u32 v1, v10;
	v4 =	vand.u32 $0xFFFF0, v4;
	v18 =	vor.u32 v1, v18  }
0x34: {  	v12 =	vand.u32 $0xFFFF0, v12;
	v19 =	vor.u32 v1, v13;
	v9 =	vand.u32 $0xFFFFF, v9  }
0x35: {  	v5 =	vand.u32 $0xFFFF0, v5;
	v20 =	vor.u32 v1, v14;
	v18 =	vand.u32 $0xFFFFF, v18  }
0x36: {  	v6 =	vand.u32 $0xFFFF0, v6;
	v15 =	vor.u32 v1, v15;
	v3 =	vor.u32 v1, v3  }
0x37: {  	v7 =	vand.u32 $0xFFFF0, v7;
	v16 =	vor.u32 v1, v16;
	v21 =	vor.u32 v1, v12  }
0x38: {  	v22 =	vand.u32 $0xFFFF0, v8;
	v17 =	vor.u32 v1, v17;
	v23 =	vand.u32 $0xFFFF0, v11  }
0x39: {  	v14 =	vand.u32 $0xFFFFF, v10;
	v13 =	vor.u32 v1, v4;
	v12 =	vand.u32 $0xFFFFF, v19;
	[tilespmem:v9+s11+$0x0] =	vst.idx.add.s32.msk $0xffff, v2  }
0x3a: {  	v11 =	vor.u32 v1, v5;
	v10 =	vand.u32 $0xFFFFF, v20;
	v8 =	vand.u32 $0xFFFFF, v15;
	[tilespmem:v18+s11+$0x0] =	vst.idx.add.s32.msk $0xffff, v2  }
0x3b: {  	v7 =	vor.u32 v1, v7;
	v5 =	vor.u32 v1, v22;
	v4 =	vand.u32 $0xFFFFF, v17;
	[tilespmem:v3+s11+$0x0] =	vst.idx.add.s32.msk $0xffff, v2  }
0x3c: {  	s20 =	simm.s32 $0xC0;
	s19 =	simm.s32 $0x0;
	v9 =	vor.u32 v1, v6;
	v6 =	vand.u32 $0xFFFFF, v16;
	v3 =	vor.u32 v1, v23;
	[tilespmem:v21+s11+$0x0] =	vst.idx.add.s32.msk $0xffff, v2  }
.LBB2_5:
0x3d: {  	v15 =	vld [tilespmem:s20+$0x30]  }
0x3e: {  	s19 =	sadd.s32 $0x8, s19;
	v16 =	vld [tilespmem:s20+$0xFFFFFFD0]  }
0x3f: {  	p0 =	slt.u32 s19, $0x1F8;
	v17 =	vld [tilespmem:s20+$0xFFFFFFE0]  }
0x40: {  	v18 =	vld [tilespmem:s20+$0xFFFFFFF0]  }
0x41: {  	v19 =	vld [tilespmem:s20+$0x0]  }
0x42: {  	v20 =	vld [tilespmem:s20+$0x10];
	v21 =	vshll.u32 v15, $0x4  }
0x43: {  	v15 =	vshrl.u32 v15, $0xC;
	v22 =	vshll.u32 v16, $0x4;
	v23 =	vld [tilespmem:s20+$0x20];
	v21 =	vor.u32 v1, v21  }
0x44: {  	v16 =	vshrl.u32 v16, $0xC;
	v15 =	vand.u32 $0xFFFF0, v15;
	v24 =	vld [tilespmem:s20+$0xFFFFFFC0];
	v21 =	vand.u32 $0xFFFFF, v21  }
0x45: {  	v25 =	vshll.u32 v17, $0x4;
	v17 =	vshrl.u32 v17, $0xC;
	v15 =	vor.u32 v1, v15;
	[tilespmem:v14+s11+$0x0] =	vst.idx.add.s32.msk $0xffff, v2  }
0x46: {  	v14 =	vshll.u32 v18, $0x4;
	v18 =	vshrl.u32 v18, $0xC;
	v26 =	vshll.u32 v19, $0x4;
	[tilespmem:v13+s11+$0x0] =	vst.idx.add.s32.msk $0xffff, v2  }
0x47: {  	v13 =	vshrl.u32 v19, $0xC;
	v19 =	vshll.u32 v20, $0x4;
	v20 =	vshrl.u32 v20, $0xC;
	[tilespmem:v12+s11+$0x0] =	vst.idx.add.s32.msk $0xffff, v2  }
0x48: {  	v12 =	vor.u32 v1, v22;
	v22 =	vshll.u32 v23, $0x4;
	v23 =	vshrl.u32 v23, $0xC;
	[tilespmem:v11+s11+$0x0] =	vst.idx.add.s32.msk $0xffff, v2  }
0x49: {  	v16 =	vand.u32 $0xFFFF0, v16;
	v11 =	vshll.u32 v24, $0x4;
	v24 =	vshrl.u32 v24, $0xC;
	[tilespmem:v21+s11+$0x0] =	vst.idx.add.s32.msk $0xffff, v2  }
0x4a: {  	v11 =	vor.u32 v1, v11;
	v21 =	vand.u32 $0xFFFF0, v24;
	v24 =	vor.u32 v1, v25;
	[tilespmem:v15+s11+$0x0] =	vst.idx.add.s32.msk $0xffff, v2  }
0x4b: {  	v18 =	vand.u32 $0xFFFF0, v18;
	v15 =	vand.u32 $0xFFFF0, v17;
	v17 =	vor.u32 v1, v14;
	[tilespmem:v10+s11+$0x0] =	vst.idx.add.s32.msk $0xffff, v2  }
0x4c: {  	v19 =	vor.u32 v1, v19;
	v25 =	vor.u32 v1, v26;
	v26 =	vand.u32 $0xFFFF0, v13;
	[tilespmem:v9+s11+$0x0] =	vst.idx.add.s32.msk $0xffff, v2  }
0x4d: {  	v20 =	vand.u32 $0xFFFF0, v20;
	v22 =	vor.u32 v1, v22;
	v23 =	vand.u32 $0xFFFF0, v23;
	[tilespmem:v8+s11+$0x0] =	vst.idx.add.s32.msk $0xffff, v2  }
0x4e: {  	v14 =	vand.u32 $0xFFFFF, v12;
	v27 =	vand.u32 $0xFFFFF, v11;
	v21 =	vor.u32 v1, v21;
	[tilespmem:v7+s11+$0x0] =	vst.idx.add.s32.msk $0xffff, v2  }
0x4f: {  	v13 =	vor.u32 v1, v16;
	v12 =	vand.u32 $0xFFFFF, v24;
	v11 =	vor.u32 v1, v15;
	[tilespmem:v6+s11+$0x0] =	vst.idx.add.s32.msk $0xffff, v2  }
.Ltmp1:
0x50: {  	v10 =	vand.u32 $0xFFFFF, v17;
	v9 =	vor.u32 v1, v18;
	v8 =	vand.u32 $0xFFFFF, v25;
	[tilespmem:v5+s11+$0x0] =	vst.idx.add.s32.msk $0xffff, v2;
	(pc) =	sbr.rel @p0 .LBB2_5-.Ltmp1, $4  }
0x51: {  	v7 =	vor.u32 v1, v26;
	v6 =	vand.u32 $0xFFFFF, v19;
	v5 =	vor.u32 v1, v20;
	[tilespmem:v4+s11+$0x0] =	vst.idx.add.s32.msk $0xffff, v2  }
0x52: {  	v4 =	vand.u32 $0xFFFFF, v22;
	[tilespmem:v3+s11+$0x0] =	vst.idx.add.s32.msk $0xffff, v2;
	v3 =	vor.u32 v1, v23  }
0x53: {  	[tilespmem:v27+s11+$0x0] =	vst.idx.add.s32.msk $0xffff, v2  }
0x54: {  	s20 =	sadd.s32 $0x80, s20;
	[tilespmem:v21+s11+$0x0] =	vst.idx.add.s32.msk $0xffff, v2  }
0x55: {  	_ =	sdelay $0x3  }
0x56: {  	[tilespmem:v14+s11+$0x0] =	vst.idx.add.s32.msk $0xffff, v2  }
0x57: {  	[tilespmem:v12+s11+$0x0] =	vst.idx.add.s32.msk $0xffff, v2  }
0x58: {  	[tilespmem:v10+s11+$0x0] =	vst.idx.add.s32.msk $0xffff, v2  }
0x59: {  	[tilespmem:v8+s11+$0x0] =	vst.idx.add.s32.msk $0xffff, v2  }
0x5a: {  	[tilespmem:v6+s11+$0x0] =	vst.idx.add.s32.msk $0xffff, v2  }
0x5b: {  	[tilespmem:v4+s11+$0x0] =	vst.idx.add.s32.msk $0xffff, v2  }
0x5c: {  	[tilespmem:v13+s11+$0x0] =	vst.idx.add.s32.msk $0xffff, v2  }
0x5d: {  	[tilespmem:v11+s11+$0x0] =	vst.idx.add.s32.msk $0xffff, v2  }
0x5e: {  	[tilespmem:v9+s11+$0x0] =	vst.idx.add.s32.msk $0xffff, v2  }
0x5f: {  	[tilespmem:v7+s11+$0x0] =	vst.idx.add.s32.msk $0xffff, v2  }
0x60: {  	[tilespmem:v5+s11+$0x0] =	vst.idx.add.s32.msk $0xffff, v2  }
0x61: {  	p0 =	seq.s32 s17, $0x12;
	[tilespmem:v3+s11+$0x0] =	vst.idx.add.s32.msk $0xffff, v2  }
0x62: {  	s18 =	sadd.s32 @!p0 s18, s6;
	_ =	swait.ge [sflag:s12], $0x2000  }
0x63: {  	s31 =	simm.s32 $0x2040;
	s18 =	sshrl.u32 @!p0 s18, $0x3;
	[sflag:s12] =	ssyncset.done $0x0  }
0x64: {  	s19 =	simm.s32 @!p0 $0x0;
	s18 =	sadd.s32 @!p0 s3, s18;
	[sflag:s12] =	ssyncadd.s32 $0xFFFFE000  }
0x65: {  	[tilespmem:s19], [sflag:$0x1] =	stream.linear.gather @!p0 [hbm4b:s18+s19], $0x2000, $0x38;
	[tilespmem:$0x17000] =	vst v63  }
0x66: {  	v3 =	vld [tilespmem:s31+$0x30]  }
0x67: {  	v4 =	vld [tilespmem:s31+$0xFFFFFFD0]  }
0x68: {  	v5 =	vld [tilespmem:s31+$0xFFFFFFE0]  }
0x69: {  	v6 =	vld [tilespmem:s31+$0xFFFFFFF0]  }
0x6a: {  	v7 =	vld [tilespmem:s31+$0x0]  }
0x6b: {  	v8 =	vld [tilespmem:s31+$0x10]  }
0x6c: {  	v11 =	vld [tilespmem:s31+$0x20]  }
0x6d: {  	v12 =	vld [tilespmem:s31+$0xFFFFFFC0]  }
0x6e: {  	v9 =	vshll.u32 v3, $0x4;
	v10 =	vshll.u32 v4, $0x4;
	v3 =	vshrl.u32 v3, $0xC  }
0x6f: {  	v4 =	vshrl.u32 v4, $0xC;
	v13 =	vshll.u32 v5, $0x4;
	v5 =	vshrl.u32 v5, $0xC  }
0x70: {  	v14 =	vshll.u32 v6, $0x4;
	v6 =	vshrl.u32 v6, $0xC;
	v15 =	vshll.u32 v7, $0x4  }
0x71: {  	v7 =	vshrl.u32 v7, $0xC;
	v16 =	vshll.u32 v8, $0x4;
	v8 =	vshrl.u32 v8, $0xC  }
0x72: {  	v17 =	vshll.u32 v11, $0x4;
	v11 =	vshrl.u32 v11, $0xC;
	v18 =	vshll.u32 v12, $0x4  }
0x73: {  	v12 =	vshrl.u32 v12, $0xC;
	v9 =	vor.u32 v1, v9;
	v3 =	vand.u32 $0xFFFF0, v3  }
0x74: {  	v10 =	vor.u32 v1, v10;
	v4 =	vand.u32 $0xFFFF0, v4;
	v18 =	vor.u32 v1, v18  }
0x75: {  	v12 =	vand.u32 $0xFFFF0, v12;
	v19 =	vor.u32 v1, v13;
	v9 =	vand.u32 $0xFFFFF, v9  }
0x76: {  	v5 =	vand.u32 $0xFFFF0, v5;
	v20 =	vor.u32 v1, v14;
	v18 =	vand.u32 $0xFFFFF, v18  }
0x77: {  	v6 =	vand.u32 $0xFFFF0, v6;
	v15 =	vor.u32 v1, v15;
	v3 =	vor.u32 v1, v3  }
0x78: {  	v7 =	vand.u32 $0xFFFF0, v7;
	v16 =	vor.u32 v1, v16;
	v21 =	vor.u32 v1, v12  }
0x79: {  	v22 =	vand.u32 $0xFFFF0, v8;
	v17 =	vor.u32 v1, v17;
	v23 =	vand.u32 $0xFFFF0, v11  }
0x7a: {  	v14 =	vand.u32 $0xFFFFF, v10;
	v13 =	vor.u32 v1, v4;
	v12 =	vand.u32 $0xFFFFF, v19;
	[tilespmem:v9+s11+$0x0] =	vst.idx.add.s32.msk $0xffff, v2  }
0x7b: {  	v11 =	vor.u32 v1, v5;
	v10 =	vand.u32 $0xFFFFF, v20;
	v8 =	vand.u32 $0xFFFFF, v15;
	[tilespmem:v18+s11+$0x0] =	vst.idx.add.s32.msk $0xffff, v2  }
0x7c: {  	v7 =	vor.u32 v1, v7;
	v5 =	vor.u32 v1, v22;
	v4 =	vand.u32 $0xFFFFF, v17;
	[tilespmem:v3+s11+$0x0] =	vst.idx.add.s32.msk $0xffff, v2  }
0x7d: {  	s18 =	simm.s32 $0x0;
	s19 =	simm.s32 $0x20C0;
	v9 =	vor.u32 v1, v6;
	v6 =	vand.u32 $0xFFFFF, v16;
	v3 =	vor.u32 v1, v23;
	[tilespmem:v21+s11+$0x0] =	vst.idx.add.s32.msk $0xffff, v2  }
.LBB2_7:
0x7e: {  	v15 =	vld [tilespmem:s19+$0x30]  }
0x7f: {  	s18 =	sadd.s32 $0x8, s18;
	v16 =	vld [tilespmem:s19+$0xFFFFFFD0]  }
0x80: {  	p0 =	slt.u32 s18, $0x1F8;
	v17 =	vld [tilespmem:s19+$0xFFFFFFE0]  }
0x81: {  	v18 =	vld [tilespmem:s19+$0xFFFFFFF0]  }
0x82: {  	v19 =	vld [tilespmem:s19+$0x0]  }
0x83: {  	v20 =	vld [tilespmem:s19+$0x10];
	v21 =	vshll.u32 v15, $0x4  }
0x84: {  	v15 =	vshrl.u32 v15, $0xC;
	v22 =	vshll.u32 v16, $0x4;
	v23 =	vld [tilespmem:s19+$0x20];
	v21 =	vor.u32 v1, v21  }
0x85: {  	v16 =	vshrl.u32 v16, $0xC;
	v15 =	vand.u32 $0xFFFF0, v15;
	v24 =	vld [tilespmem:s19+$0xFFFFFFC0];
	v21 =	vand.u32 $0xFFFFF, v21  }
0x86: {  	v25 =	vshll.u32 v17, $0x4;
	v17 =	vshrl.u32 v17, $0xC;
	v15 =	vor.u32 v1, v15;
	[tilespmem:v14+s11+$0x0] =	vst.idx.add.s32.msk $0xffff, v2  }
0x87: {  	v14 =	vshll.u32 v18, $0x4;
	v18 =	vshrl.u32 v18, $0xC;
	v26 =	vshll.u32 v19, $0x4;
	[tilespmem:v13+s11+$0x0] =	vst.idx.add.s32.msk $0xffff, v2  }
0x88: {  	v13 =	vshrl.u32 v19, $0xC;
	v19 =	vshll.u32 v20, $0x4;
	v20 =	vshrl.u32 v20, $0xC;
	[tilespmem:v12+s11+$0x0] =	vst.idx.add.s32.msk $0xffff, v2  }
0x89: {  	v12 =	vor.u32 v1, v22;
	v22 =	vshll.u32 v23, $0x4;
	v23 =	vshrl.u32 v23, $0xC;
	[tilespmem:v11+s11+$0x0] =	vst.idx.add.s32.msk $0xffff, v2  }
0x8a: {  	v16 =	vand.u32 $0xFFFF0, v16;
	v11 =	vshll.u32 v24, $0x4;
	v24 =	vshrl.u32 v24, $0xC;
	[tilespmem:v21+s11+$0x0] =	vst.idx.add.s32.msk $0xffff, v2  }
0x8b: {  	v11 =	vor.u32 v1, v11;
	v21 =	vand.u32 $0xFFFF0, v24;
	v24 =	vor.u32 v1, v25;
	[tilespmem:v15+s11+$0x0] =	vst.idx.add.s32.msk $0xffff, v2  }
0x8c: {  	v18 =	vand.u32 $0xFFFF0, v18;
	v15 =	vand.u32 $0xFFFF0, v17;
	v17 =	vor.u32 v1, v14;
	[tilespmem:v10+s11+$0x0] =	vst.idx.add.s32.msk $0xffff, v2  }
0x8d: {  	v19 =	vor.u32 v1, v19;
	v25 =	vor.u32 v1, v26;
	v26 =	vand.u32 $0xFFFF0, v13;
	[tilespmem:v9+s11+$0x0] =	vst.idx.add.s32.msk $0xffff, v2  }
0x8e: {  	v20 =	vand.u32 $0xFFFF0, v20;
	v22 =	vor.u32 v1, v22;
	v23 =	vand.u32 $0xFFFF0, v23;
	[tilespmem:v8+s11+$0x0] =	vst.idx.add.s32.msk $0xffff, v2  }
0x8f: {  	v14 =	vand.u32 $0xFFFFF, v12;
	v27 =	vand.u32 $0xFFFFF, v11;
	v21 =	vor.u32 v1, v21;
	[tilespmem:v7+s11+$0x0] =	vst.idx.add.s32.msk $0xffff, v2  }
0x90: {  	v13 =	vor.u32 v1, v16;
	v12 =	vand.u32 $0xFFFFF, v24;
	v11 =	vor.u32 v1, v15;
	[tilespmem:v6+s11+$0x0] =	vst.idx.add.s32.msk $0xffff, v2  }
.Ltmp2:
0x91: {  	v10 =	vand.u32 $0xFFFFF, v17;
	v9 =	vor.u32 v1, v18;
	v8 =	vand.u32 $0xFFFFF, v25;
	[tilespmem:v5+s11+$0x0] =	vst.idx.add.s32.msk $0xffff, v2;
	(pc) =	sbr.rel @p0 .LBB2_7-.Ltmp2, $4  }
0x92: {  	v7 =	vor.u32 v1, v26;
	v6 =	vand.u32 $0xFFFFF, v19;
	v5 =	vor.u32 v1, v20;
	[tilespmem:v4+s11+$0x0] =	vst.idx.add.s32.msk $0xffff, v2  }
0x93: {  	v4 =	vand.u32 $0xFFFFF, v22;
	[tilespmem:v3+s11+$0x0] =	vst.idx.add.s32.msk $0xffff, v2;
	v3 =	vor.u32 v1, v23  }
0x94: {  	[tilespmem:v27+s11+$0x0] =	vst.idx.add.s32.msk $0xffff, v2  }
0x95: {  	s19 =	sadd.s32 $0x80, s19;
	[tilespmem:v21+s11+$0x0] =	vst.idx.add.s32.msk $0xffff, v2  }
0x96: {  	_ =	sdelay $0x3  }
0x97: {  	[tilespmem:v14+s11+$0x0] =	vst.idx.add.s32.msk $0xffff, v2  }
0x98: {  	[tilespmem:v12+s11+$0x0] =	vst.idx.add.s32.msk $0xffff, v2  }
0x99: {  	[tilespmem:v10+s11+$0x0] =	vst.idx.add.s32.msk $0xffff, v2  }
0x9a: {  	[tilespmem:v8+s11+$0x0] =	vst.idx.add.s32.msk $0xffff, v2  }
0x9b: {  	[tilespmem:v6+s11+$0x0] =	vst.idx.add.s32.msk $0xffff, v2  }
0x9c: {  	s17 =	sadd.s32 $0x1, s17;
	[tilespmem:v4+s11+$0x0] =	vst.idx.add.s32.msk $0xffff, v2  }
0x9d: {  	[tilespmem:v13+s11+$0x0] =	vst.idx.add.s32.msk $0xffff, v2;
	p0 =	sne.s32 s17, $0x13  }
.Ltmp3:
0x9e: {  	[tilespmem:v11+s11+$0x0] =	vst.idx.add.s32.msk $0xffff, v2;
	(pc) =	sbr.rel @p0 .LBB2_4-.Ltmp3, $4  }
0x9f: {  	[tilespmem:v9+s11+$0x0] =	vst.idx.add.s32.msk $0xffff, v2  }
0xa0: {  	[tilespmem:v7+s11+$0x0] =	vst.idx.add.s32.msk $0xffff, v2  }
0xa1: {  	[tilespmem:v5+s11+$0x0] =	vst.idx.add.s32.msk $0xffff, v2  }
0xa2: {  	[tilespmem:v3+s11+$0x0] =	vst.idx.add.s32.msk $0xffff, v2  }
0xa3: {  	s16 =	sadd.s32 $0x1, s16  }
0xa4: {  	p0 =	sne.s32 s16, s8  }
.Ltmp4:
0xa5: {  	_ = 	snop;
	(pc) =	sbr.rel @p0 .LBB2_1-.Ltmp4, $4  }
0xa6: {  	[hbm4b:s7+s13] =	stream.strided.scatter [tilespmem:s11], [sflag:$0x3], $0x13000, s14, s13, $0x38;
	[tilespmem:$0x17000] =	vst v63  }
0xa7: {  	_ =	swait.ge [sflag:s15], $0x13000  }
0xa8: {  	[sflag:s15] =	ssyncset.done $0x0  }
0xa9: {  	[sflag:s15] =	ssyncadd.s32 $0xFFFED000  }
0xaa: {  	_ =	sfence.sel $0x180000  }
0xab: {  	[bflag:$0x0] =	sbarrier.arrive $0xFFFF  }
0xac: {  	p0 =	sne.s32 s1, $0x0;
	_ =	strace $0x90000047  }
0xad: {  	s0 =	sadd.s32 @!p0 $0x100000, s0;
	[bflag:$0x2] =	sbarrier.arrive $0xFFFF  }
0xae: {  	[sflag:s0] =	ssyncadd.tile.s32 @!p0 $0x1;
	_ =	shalt  }
.Lfunc_end2:
_tile_overlayer_lowered:
.L_overlay_start_2:
0xaf: {  	(tag) =	ssettag $0x2  }
0xb0: {  	s0 =	rddreg [dreg:$0x0];
	s2 =	stileid.u32  }
0xb1: {  	s1 =	rddreg [dreg:$0x1];
	p0 =	sne.s32 s2, $0x0  }
0xb2: {  	s3 =	rddreg [dreg:$0x2];
	[bflag:$0x3] =	sbarrier.arrive $0xFFFF;
	s2 =	simm.s32 @!p0 $0x1C03  }
0xb3: {  	[timem:s3], [sflag:s2] =	dma.local @!p0 [hbm:s0], s1  }
0xb4: {  	s0 =	simm.s32 @!p0 $0x3  }
0xb5: {  	_ =	swait.ge @!p0 [sflag:s0], s1  }
0xb6: {  	s1 =	ssub.s32 @!p0 $0x0, s1;
	[sflag:s0] =	ssyncset.done @!p0 $0x0  }
0xb7: {  	[sflag:s0] =	ssyncadd.s32 @!p0 s1  }
0xb8: {  	[bflag:$0x3] =	sbarrier.arrive $0xFFFF  }
0xb9: {  	_ =	shalt  }

</sc_bundles>
